<compile_context>
chip_gen: v7x
topology: tpu7x:2x2x1
jax: 0.10.2.dev20260603
libtpu: 0.0.44.dev20260713+nightly
codegen_flags: <defaults>
</compile_context>

<pallas_src>
import functools

import jax
import jax.numpy as jnp
from jax import lax
from jax.experimental import pallas as pl
from jax.experimental.pallas import tpu as pltpu
from jax.experimental.pallas import tpu_sc as plsc

N_USER = 10000
N_ITEM = 10000
D_IN = 128
H = 64
E = 320000

NC = 2
NS = 16
CH = 128
CPW = 240
NBLK = 4
BLK = CPW // NBLK
EC = NS * CPW * CH
E_CORE = E + E // 2
ROWS2D = EC // CH
NPAD = 10112
ACC4 = 4 * NPAD
DUMMY = 10000
ZRA = ACC4 // NS


def _proj_body(fu, fi, wu, bu, wi, bi, v, co, mt):
    hu = jnp.dot(fu[...], wu[...], preferred_element_type=jnp.float32) + bu[...][None, :]
    hi = jnp.dot(fi[...], wi[...], preferred_element_type=jnp.float32) + bi[...][None, :]
    vv = v[...]
    w0 = co[0, 0] * vv[0] + co[0, 1] * vv[1]
    w1 = co[1, 0] * vv[0] + co[1, 1] * vv[1]
    w2 = co[2, 0] * vv[0] + co[2, 1] * vv[1]
    mt[pl.ds(0, N_USER)] = jnp.dot(
        hu, w0, preferred_element_type=jnp.float32).astype(jnp.bfloat16)
    mt[pl.ds(N_USER, N_USER)] = jnp.dot(
        hu, w1, preferred_element_type=jnp.float32).astype(jnp.bfloat16)
    mt[pl.ds(2 * N_USER, N_ITEM)] = jnp.dot(
        hi, w2, preferred_element_type=jnp.float32).astype(jnp.bfloat16)


_proj = pl.pallas_call(
    _proj_body,
    out_shape=jax.ShapeDtypeStruct((2 * N_USER + N_ITEM, H), jnp.bfloat16),
    in_specs=[pl.BlockSpec(memory_space=pltpu.VMEM)] * 7
    + [pl.BlockSpec(memory_space=pltpu.SMEM)],
)


_sc_mesh = plsc.VectorSubcoreMesh(
    core_axis_name="c", subcore_axis_name="s", num_cores=NC, num_subcores=NS
)


@functools.partial(
    pl.kernel,
    out_type=[
        jax.ShapeDtypeStruct((NC, ACC4, H), jnp.bfloat16),
        jax.ShapeDtypeStruct((NC, ACC4), jnp.float32),
    ],
    mesh=_sc_mesh,
    compiler_params=pltpu.CompilerParams(
        use_tc_tiling_on_sc=False, needs_layout_passes=False
    ),
    scratch_types=[
        pltpu.VMEM_SHARED((ACC4, H), jnp.bfloat16),
        pltpu.VMEM_SHARED((ACC4,), jnp.float32),
        pltpu.VMEM((BLK, CH), jnp.int32),
        pltpu.VMEM((BLK, CH), jnp.int32),
        pltpu.VMEM((CH, H), jnp.bfloat16),
        pltpu.VMEM((CH, H), jnp.bfloat16),
        pltpu.VMEM((CH, H), jnp.bfloat16),
        pltpu.VMEM((CH, H), jnp.bfloat16),
        pltpu.VMEM((CH, H), jnp.bfloat16),
        pltpu.VMEM((CH, H), jnp.bfloat16),
        pltpu.VMEM((CH,), jnp.float32),
        pltpu.SemaphoreType.DMA,
        pltpu.SemaphoreType.DMA,
        pltpu.SemaphoreType.DMA,
        pltpu.SemaphoreType.DMA,
        pltpu.SemaphoreType.DMA,
        pltpu.SemaphoreType.DMA,
        pltpu.SemaphoreType.DMA,
        pltpu.SemaphoreType.DMA,
        pltpu.SemaphoreType.DMA,
        pltpu.SemaphoreType.DMA,
        pltpu.SemaphoreType.DMA,
        pltpu.SemaphoreType.DMA,
        pltpu.SemaphoreType.DMA,
        pltpu.SemaphoreType.DMA,
    ],
)
def _sc_seg(
    mtab, srcs, dsts, z2d, z1d, ones_h,
    accO, degO,
    acc, deg, src_blk, dst_blk, rb0, rb1, rb2, rb3, rb4, rb5, ones,
    gs0, gs1, gs2, gs3, gs4, gs5, ss0, ss1, ss2, ss3, ss4, ss5, dsem, isem,
):
    cid = lax.axis_index("c")
    sid = lax.axis_index("s")

    o = sid * ZRA
    pltpu.sync_copy(z2d, acc.at[pl.ds(o, ZRA)])
    pltpu.sync_copy(z1d, deg.at[pl.ds(o, ZRA)])
    pltpu.sync_copy(ones_h, ones)
    plsc.subcore_barrier()

    rbufs = (rb0, rb1, rb2, rb3, rb4, rb5)
    gsems = (gs0, gs1, gs2, gs3, gs4, gs5)
    ssems = (ss0, ss1, ss2, ss3, ss4, ss5)
    tile_row0 = sid * CPW

    def block(b, _):
        row0 = tile_row0 + b * BLK
        pltpu.async_copy(srcs.at[cid, pl.ds(row0, BLK)], src_blk, isem)
        pltpu.async_copy(dsts.at[cid, pl.ds(row0, BLK)], dst_blk, isem).wait()
        pltpu.make_async_copy(srcs.at[cid, pl.ds(row0, BLK)], src_blk, isem).wait()

        def group(g, _):
            j0 = g * 6
            gd = [
                pltpu.async_copy(
                    mtab.at[src_blk.at[j0 + t]], rbufs[t], gsems[t]
                )
                for t in range(6)
            ]
            sd = []
            for t in range(6):
                gd[t].wait()
                sd.append(pltpu.async_copy(
                    rbufs[t], acc.at[dst_blk.at[j0 + t]], ssems[t], add=True
                ))
                sd.append(pltpu.async_copy(
                    ones, deg.at[dst_blk.at[j0 + t]], dsem, add=True
                ))
            for d in sd:
                d.wait()
            return 0

        lax.fori_loop(0, BLK // 6, group, 0)
        return 0

    lax.fori_loop(0, NBLK, block, 0)
    plsc.subcore_barrier()

    pltpu.sync_copy(acc.at[pl.ds(o, ZRA)], accO.at[cid, pl.ds(o, ZRA)])
    pltpu.sync_copy(deg.at[pl.ds(o, ZRA)], degO.at[cid, pl.ds(o, ZRA)])


def _final_body(ac, dg, hb, out):
    a0 = ac[0].astype(jnp.float32)
    a1 = ac[1].astype(jnp.float32)
    P2 = 2 * NPAD
    aggb = a0[:N_ITEM] + a0[P2:P2 + N_ITEM]
    aggr = a1[:N_USER] + a1[P2:P2 + N_USER]
    aggf = (a0[NPAD:NPAD + N_USER] + a0[P2 + NPAD:P2 + NPAD + N_USER]
            + a1[NPAD:NPAD + N_USER] + a1[P2 + NPAD:P2 + NPAD + N_USER])
    degb = jnp.maximum(dg[0, :N_ITEM] + dg[0, P2:P2 + N_ITEM], 1.0)
    degr = jnp.maximum(dg[1, :N_USER] + dg[1, P2:P2 + N_USER], 1.0)
    degf = jnp.maximum(
        dg[0, NPAD:NPAD + N_USER] + dg[0, P2 + NPAD:P2 + NPAD + N_USER]
        + dg[1, NPAD:NPAD + N_USER] + dg[1, P2 + NPAD:P2 + NPAD + N_USER], 1.0)
    bias = hb[...][None, :]
    out[pl.ds(0, N_USER)] = jnp.maximum(
        aggf / degf[:, None] + aggr / degr[:, None] + bias, 0.0
    )
    out[pl.ds(N_USER, N_ITEM)] = jnp.maximum(aggb / degb[:, None] + bias, 0.0)


_final = pl.pallas_call(
    _final_body,
    out_shape=jax.ShapeDtypeStruct((N_USER + N_ITEM, H), jnp.float32),
)


def kernel(feat_user, feat_item, edge_buys, edge_follows, edge_rev,
           W_u, b_u, W_i, b_i, V, coeff, h_bias):
    mtab = _proj(feat_user, feat_item, W_u, b_u, W_i, b_i, V, coeff)

    half = E // 2
    padn = EC - E_CORE
    pad_s = jnp.zeros((padn,), jnp.int32)
    pad_d = jnp.full((padn,), DUMMY, jnp.int32)
    s0 = jnp.concatenate([edge_buys[0], edge_follows[0, :half] + N_USER, pad_s])
    d0 = jnp.concatenate([edge_buys[1], edge_follows[1, :half] + NPAD, pad_d])
    s1 = jnp.concatenate([edge_rev[0] + 2 * N_USER, edge_follows[0, half:] + N_USER, pad_s])
    d1 = jnp.concatenate([edge_rev[1], edge_follows[1, half:] + NPAD, pad_d])
    copy_off = jnp.where(jnp.arange(EC, dtype=jnp.int32) < E_CORE // 2,
                         jnp.int32(0), jnp.int32(2 * NPAD))
    d0 = d0 + copy_off
    d1 = d1 + copy_off
    srcs = jnp.stack([s0, s1]).reshape(NC, ROWS2D, CH)
    dsts = jnp.stack([d0, d1]).reshape(NC, ROWS2D, CH)

    z2d = jnp.zeros((ZRA, H), jnp.bfloat16)
    z1d = jnp.zeros((ZRA,), jnp.float32)
    ones_h = jnp.ones((CH,), jnp.float32)
    accO, degO = _sc_seg(mtab, srcs, dsts, z2d, z1d, ones_h)
    return _final(accO, degO, h_bias)

# --- scband reference (transcript-rebuilt; emitter-appended) ---
"""Pipeline reference for scband-encoder-rel-graph-conv-hetero-79104707658482 (READ-ONLY COPY).

The authoritative reference and input builder live on the scoring server;
editing this copy changes nothing except your own understanding.
"""

import jax, jax.numpy as jnp
import numpy as np

N_USER = 10000
N_ITEM = 10000
D_IN = 128
H = 64
E = 320000
NUM_BASES = 2
NUM_RELS = 3  # sorted rel_names: ['buys', 'follows', 'rev-buys']


def setup_inputs(seed: int = 0) -> dict:
    key = jax.random.key(seed)
    ks = jax.random.split(key, 12)
    feat_user = jax.random.normal(ks[0], (N_USER, D_IN), dtype=jnp.float32)
    feat_item = jax.random.normal(ks[1], (N_ITEM, D_IN), dtype=jnp.float32)
    edge_buys = jax.random.randint(ks[2], (2, E), 0, N_USER, dtype=jnp.int32)
    # buys: user -> item; dst row must index items
    edge_buys = edge_buys.at[1].set(jax.random.randint(ks[3], (E,), 0, N_ITEM, dtype=jnp.int32))
    edge_follows = jax.random.randint(ks[4], (2, E), 0, N_USER, dtype=jnp.int32)
    edge_rev = jax.random.randint(ks[5], (2, E), 0, N_ITEM, dtype=jnp.int32)
    # rev-buys: item -> user; dst row must index users
    edge_rev = edge_rev.at[1].set(jax.random.randint(ks[6], (E,), 0, N_USER, dtype=jnp.int32))
    # EmbeddingLayer params (per-ntype Linear)
    W_u = jax.random.normal(ks[7], (D_IN, H), dtype=jnp.float32) / np.sqrt(D_IN)
    b_u = jnp.zeros((H,), dtype=jnp.float32)
    W_i = jax.random.normal(ks[8], (D_IN, H), dtype=jnp.float32) / np.sqrt(D_IN)
    b_i = jnp.zeros((H,), dtype=jnp.float32)
    # RelGraphConvHetero basis-decomposition params
    V = jax.random.normal(ks[9], (NUM_BASES, H, H), dtype=jnp.float32) / np.sqrt(H)
    coeff = jax.random.normal(ks[10], (NUM_RELS, NUM_BASES), dtype=jnp.float32)
    h_bias = jnp.zeros((H,), dtype=jnp.float32)
    return {
        "feat_user": feat_user,
        "feat_item": feat_item,
        "edge_buys": edge_buys,
        "edge_follows": edge_follows,
        "edge_rev": edge_rev,
        "W_u": W_u,
        "b_u": b_u,
        "W_i": W_i,
        "b_i": b_i,
        "V": V,
        "coeff": coeff,
        "h_bias": h_bias,
    }


def _rel_mp(h_src, edges, W_r, num_dst):
    src = edges[0]
    dst = edges[1]
    msg = jnp.take(h_src, src, axis=0) @ W_r
    agg = jax.ops.segment_sum(msg, dst, num_segments=num_dst)
    deg = jax.ops.segment_sum(jnp.ones((edges.shape[1],), jnp.float32), dst, num_segments=num_dst)
    return agg / jnp.maximum(deg, 1.0)[:, None]


def reference(feat_user, feat_item, edge_buys, edge_follows, edge_rev, W_u, b_u, W_i, b_i, V, coeff, h_bias):
    # EmbeddingLayer: per-ntype linear projection to h_dim
    h_user = feat_user @ W_u + b_u
    h_item = feat_item @ W_i + b_i
    # basis decomposition: W_rel[r] = sum_b coeff[r, b] * V[b]
    W_rel = jnp.einsum('rb,bio->rio', coeff, V)
    # relation index order (sorted etypes): buys=0 (u->i), follows=1 (u->u), rev-buys=2 (i->u)
    agg_item = _rel_mp(h_user, edge_buys, W_rel[0], N_ITEM)
    agg_user = _rel_mp(h_user, edge_follows, W_rel[1], N_USER) + _rel_mp(h_item, edge_rev, W_rel[2], N_USER)
    out_user = jax.nn.relu(agg_user + h_bias)
    out_item = jax.nn.relu(agg_item + h_bias)
    # stack node-type outputs (user block first, then item block)
    return jnp.concatenate([out_user, out_item], axis=0)

if __name__ == "__main__":
    import jax
    _d = setup_inputs()
    print(jax.jit(kernel)(*tuple(_d.values())))

</pallas_src>

<mosaic_0001>
#map = affine_map<(d0, d1) -> (0, 0)>
#map1 = affine_map<(d0, d1) -> (0, 0, 0)>
#map2 = affine_map<(d0, d1) -> (0)>
module attributes {stable_mosaic.version = 14 : i64} {
  func.func @_sc_seg(%arg0: i32, %arg1: i32, %arg2: memref<30000x64xbf16, #tpu.memory_space<hbm>>, %arg3: memref<2x3840x128xi32, #tpu.memory_space<hbm>>, %arg4: memref<2x3840x128xi32, #tpu.memory_space<hbm>>, %arg5: memref<2528x64xbf16, #tpu.memory_space<hbm>>, %arg6: memref<2528xf32, #tpu.memory_space<hbm>>, %arg7: memref<128xf32, #tpu.memory_space<hbm>>, %arg8: memref<2x40448x64xbf16, #tpu.memory_space<hbm>>, %arg9: memref<2x40448xf32, #tpu.memory_space<hbm>>, %arg10: memref<40448x64xbf16, #tpu.memory_space<vmem_shared>>, %arg11: memref<40448xf32, #tpu.memory_space<vmem_shared>>, %arg12: memref<60x128xi32, #tpu.memory_space<vmem>>, %arg13: memref<60x128xi32, #tpu.memory_space<vmem>>, %arg14: memref<128x64xbf16, #tpu.memory_space<vmem>>, %arg15: memref<128x64xbf16, #tpu.memory_space<vmem>>, %arg16: memref<128x64xbf16, #tpu.memory_space<vmem>>, %arg17: memref<128x64xbf16, #tpu.memory_space<vmem>>, %arg18: memref<128x64xbf16, #tpu.memory_space<vmem>>, %arg19: memref<128x64xbf16, #tpu.memory_space<vmem>>, %arg20: memref<128xf32, #tpu.memory_space<vmem>>, %arg21: memref<!tpu.dma_semaphore, #tpu.memory_space<semaphore_mem>>, %arg22: memref<!tpu.dma_semaphore, #tpu.memory_space<semaphore_mem>>, %arg23: memref<!tpu.dma_semaphore, #tpu.memory_space<semaphore_mem>>, %arg24: memref<!tpu.dma_semaphore, #tpu.memory_space<semaphore_mem>>, %arg25: memref<!tpu.dma_semaphore, #tpu.memory_space<semaphore_mem>>, %arg26: memref<!tpu.dma_semaphore, #tpu.memory_space<semaphore_mem>>, %arg27: memref<!tpu.dma_semaphore, #tpu.memory_space<semaphore_mem>>, %arg28: memref<!tpu.dma_semaphore, #tpu.memory_space<semaphore_mem>>, %arg29: memref<!tpu.dma_semaphore, #tpu.memory_space<semaphore_mem>>, %arg30: memref<!tpu.dma_semaphore, #tpu.memory_space<semaphore_mem>>, %arg31: memref<!tpu.dma_semaphore, #tpu.memory_space<semaphore_mem>>, %arg32: memref<!tpu.dma_semaphore, #tpu.memory_space<semaphore_mem>>, %arg33: memref<!tpu.dma_semaphore, #tpu.memory_space<semaphore_mem>>, %arg34: memref<!tpu.dma_semaphore, #tpu.memory_space<semaphore_mem>>) attributes {dimension_semantics = [#tpu.dimension_semantics<core_parallel>, #tpu.dimension_semantics<subcore_parallel>], iteration_bounds = array<i64: 2, 16>, scalar_prefetch = 0 : i64, scratch_operands = 25 : i64, tpu.core_type = #tpu.core_type<sc_vector_subcore>, window_params = [{transform_indices = #map}, {transform_indices = #map1}, {transform_indices = #map1}, {transform_indices = #map}, {transform_indices = #map2}, {transform_indices = #map2}, {transform_indices = #map1}, {transform_indices = #map}]} {
    %mul3A = arith.constant 2528 : i32
    %mul3A_0 = arith.muli %arg1, %mul3A : i32
    "tpu.region"() ({
      %run_scoped3A = tpu.sem_alloc : memref<!tpu.dma_semaphore, #tpu.memory_space<semaphore_mem>>
      %dma_start3A = arith.constant 0 : i32
      %dma_start3A_10 = tpu.memref_slice %arg10[%mul3A_0, %dma_start3A] : memref<40448x64xbf16, #tpu.memory_space<vmem_shared>> -> memref<2528x64xbf16, #tpu.memory_space<vmem_shared>>
      tpu.enqueue_dma source(%arg5 : memref<2528x64xbf16, #tpu.memory_space<hbm>>) target(%dma_start3A_10 : memref<2528x64xbf16, #tpu.memory_space<vmem_shared>>) target_semaphore(%run_scoped3A : memref<!tpu.dma_semaphore, #tpu.memory_space<semaphore_mem>>)
      %dma_wait3A = arith.constant 0 : i32
      %dma_wait3A_11 = tpu.memref_slice %arg10[%mul3A_0, %dma_wait3A] : memref<40448x64xbf16, #tpu.memory_space<vmem_shared>> -> memref<2528x64xbf16, #tpu.memory_space<vmem_shared>>
      tpu.wait_dma2 semaphore(%run_scoped3A : memref<!tpu.dma_semaphore, #tpu.memory_space<semaphore_mem>>) src(%arg5 : memref<2528x64xbf16, #tpu.memory_space<hbm>>) dst(%dma_wait3A_11 : memref<2528x64xbf16, #tpu.memory_space<vmem_shared>>)
      tpu.yield
    }) : () -> ()
    "tpu.region"() ({
      %run_scoped3A = tpu.sem_alloc : memref<!tpu.dma_semaphore, #tpu.memory_space<semaphore_mem>>
      %dma_start3A = tpu.memref_slice %arg11[%mul3A_0] : memref<40448xf32, #tpu.memory_space<vmem_shared>> -> memref<2528xf32, #tpu.memory_space<vmem_shared>>
      tpu.enqueue_dma source(%arg6 : memref<2528xf32, #tpu.memory_space<hbm>>) target(%dma_start3A : memref<2528xf32, #tpu.memory_space<vmem_shared>>) target_semaphore(%run_scoped3A : memref<!tpu.dma_semaphore, #tpu.memory_space<semaphore_mem>>)
      %dma_wait3A = tpu.memref_slice %arg11[%mul3A_0] : memref<40448xf32, #tpu.memory_space<vmem_shared>> -> memref<2528xf32, #tpu.memory_space<vmem_shared>>
      tpu.wait_dma2 semaphore(%run_scoped3A : memref<!tpu.dma_semaphore, #tpu.memory_space<semaphore_mem>>) src(%arg6 : memref<2528xf32, #tpu.memory_space<hbm>>) dst(%dma_wait3A : memref<2528xf32, #tpu.memory_space<vmem_shared>>)
      tpu.yield
    }) : () -> ()
    "tpu.region"() ({
      %run_scoped3A = tpu.sem_alloc : memref<!tpu.dma_semaphore, #tpu.memory_space<semaphore_mem>>
      tpu.enqueue_dma source(%arg7 : memref<128xf32, #tpu.memory_space<hbm>>) target(%arg20 : memref<128xf32, #tpu.memory_space<vmem>>) target_semaphore(%run_scoped3A : memref<!tpu.dma_semaphore, #tpu.memory_space<semaphore_mem>>)
      tpu.wait_dma2 semaphore(%run_scoped3A : memref<!tpu.dma_semaphore, #tpu.memory_space<semaphore_mem>>) src(%arg7 : memref<128xf32, #tpu.memory_space<hbm>>) dst(%arg20 : memref<128xf32, #tpu.memory_space<vmem>>)
      tpu.yield
    }) : () -> ()
    %barrier3A = arith.constant 0 : index
    tpu.barrier barrier_id(%barrier3A)
    %mul3A_1 = arith.constant 240 : i32
    %mul3A_2 = arith.muli %arg1, %mul3A_1 : i32
    %scan3A = arith.constant 0 : i32
    %scan3A_3 = arith.constant 0 : i32
    %scan3A_4 = arith.constant 4 : i32
    %scan3A_5 = arith.addi %scan3A_3, %scan3A_4 : i32
    %scan3A_6 = arith.constant 1 : i32
    %scan3A_7 = scf.for %scan3A_10 = %scan3A_3 to %scan3A_5 step %scan3A_6 iter_args(%scan3A_11 = %scan3A) -> (i32)  : i32 {
      %mul3A_12 = arith.constant 60 : i32
      %mul3A_13 = arith.muli %scan3A_10, %mul3A_12 : i32
      %add3A = arith.addi %mul3A_2, %mul3A_13 : i32
      %dma_start3A = arith.constant 0 : i32
      %dma_start3A_14 = tpu.memref_slice %arg3[%arg0, %add3A, %dma_start3A] : memref<2x3840x128xi32, #tpu.memory_space<hbm>> -> memref<1x60x128xi32, #tpu.memory_space<hbm>>
      %dma_start3A_15 = tpu.memref_squeeze %dma_start3A_14 : memref<1x60x128xi32, #tpu.memory_space<hbm>> -> memref<60x128xi32, #tpu.memory_space<hbm>>
      %dma_start3A_16 = arith.constant 0 : i32
      %dma_start3A_17 = tpu.memref_slice %arg3[%arg0, %add3A, %dma_start3A_16] : memref<2x3840x128xi32, #tpu.memory_space<hbm>> -> memref<1x60x128xi32, #tpu.memory_space<hbm>>
      %dma_start3A_18 = tpu.memref_squeeze %dma_start3A_17 : memref<1x60x128xi32, #tpu.memory_space<hbm>> -> memref<60x128xi32, #tpu.memory_space<hbm>>
      tpu.enqueue_dma source(%dma_start3A_18 : memref<60x128xi32, #tpu.memory_space<hbm>>) target(%arg12 : memref<60x128xi32, #tpu.memory_space<vmem>>) target_semaphore(%arg34 : memref<!tpu.dma_semaphore, #tpu.memory_space<semaphore_mem>>)
      %dma_start3A_19 = arith.constant 0 : i32
      %dma_start3A_20 = tpu.memref_slice %arg4[%arg0, %add3A, %dma_start3A_19] : memref<2x3840x128xi32, #tpu.memory_space<hbm>> -> memref<1x60x128xi32, #tpu.memory_space<hbm>>
      %dma_start3A_21 = tpu.memref_squeeze %dma_start3A_20 : memref<1x60x128xi32, #tpu.memory_space<hbm>> -> memref<60x128xi32, #tpu.memory_space<hbm>>
      %dma_start3A_22 = arith.constant 0 : i32
      %dma_start3A_23 = tpu.memref_slice %arg4[%arg0, %add3A, %dma_start3A_22] : memref<2x3840x128xi32, #tpu.memory_space<hbm>> -> memref<1x60x128xi32, #tpu.memory_space<hbm>>
      %dma_start3A_24 = tpu.memref_squeeze %dma_start3A_23 : memref<1x60x128xi32, #tpu.memory_space<hbm>> -> memref<60x128xi32, #tpu.memory_space<hbm>>
      tpu.enqueue_dma source(%dma_start3A_24 : memref<60x128xi32, #tpu.memory_space<hbm>>) target(%arg13 : memref<60x128xi32, #tpu.memory_space<vmem>>) target_semaphore(%arg34 : memref<!tpu.dma_semaphore, #tpu.memory_space<semaphore_mem>>)
      %dma_wait3A = arith.constant 0 : i32
      %dma_wait3A_25 = tpu.memref_slice %arg4[%arg0, %add3A, %dma_wait3A] : memref<2x3840x128xi32, #tpu.memory_space<hbm>> -> memref<1x60x128xi32, #tpu.memory_space<hbm>>
      %dma_wait3A_26 = tpu.memref_squeeze %dma_wait3A_25 : memref<1x60x128xi32, #tpu.memory_space<hbm>> -> memref<60x128xi32, #tpu.memory_space<hbm>>
      %dma_wait3A_27 = arith.constant 0 : i32
      %dma_wait3A_28 = tpu.memref_slice %arg4[%arg0, %add3A, %dma_wait3A_27] : memref<2x3840x128xi32, #tpu.memory_space<hbm>> -> memref<1x60x128xi32, #tpu.memory_space<hbm>>
      %dma_wait3A_29 = tpu.memref_squeeze %dma_wait3A_28 : memref<1x60x128xi32, #tpu.memory_space<hbm>> -> memref<60x128xi32, #tpu.memory_space<hbm>>
      tpu.wait_dma2 semaphore(%arg34 : memref<!tpu.dma_semaphore, #tpu.memory_space<semaphore_mem>>) src(%dma_wait3A_29 : memref<60x128xi32, #tpu.memory_space<hbm>>) dst(%arg13 : memref<60x128xi32, #tpu.memory_space<vmem>>)
      %dma_wait3A_30 = arith.constant 0 : i32
      %dma_wait3A_31 = tpu.memref_slice %arg3[%arg0, %add3A, %dma_wait3A_30] : memref<2x3840x128xi32, #tpu.memory_space<hbm>> -> memref<1x60x128xi32, #tpu.memory_space<hbm>>
      %dma_wait3A_32 = tpu.memref_squeeze %dma_wait3A_31 : memref<1x60x128xi32, #tpu.memory_space<hbm>> -> memref<60x128xi32, #tpu.memory_space<hbm>>
      %dma_wait3A_33 = arith.constant 0 : i32
      %dma_wait3A_34 = tpu.memref_slice %arg3[%arg0, %add3A, %dma_wait3A_33] : memref<2x3840x128xi32, #tpu.memory_space<hbm>> -> memref<1x60x128xi32, #tpu.memory_space<hbm>>
      %dma_wait3A_35 = tpu.memref_squeeze %dma_wait3A_34 : memref<1x60x128xi32, #tpu.memory_space<hbm>> -> memref<60x128xi32, #tpu.memory_space<hbm>>
      tpu.wait_dma2 semaphore(%arg34 : memref<!tpu.dma_semaphore, #tpu.memory_space<semaphore_mem>>) src(%dma_wait3A_35 : memref<60x128xi32, #tpu.memory_space<hbm>>) dst(%arg12 : memref<60x128xi32, #tpu.memory_space<vmem>>)
      %scan3A_36 = arith.constant 0 : i32
      %scan3A_37 = arith.constant 0 : i32
      %scan3A_38 = arith.constant 10 : i32
      %scan3A_39 = arith.addi %scan3A_37, %scan3A_38 : i32
      %scan3A_40 = arith.constant 1 : i32
      %scan3A_41 = scf.for %scan3A_44 = %scan3A_37 to %scan3A_39 step %scan3A_40 iter_args(%scan3A_45 = %scan3A_36) -> (i32)  : i32 {
        %mul3A_46 = arith.constant 6 : i32
        %mul3A_47 = arith.muli %scan3A_44, %mul3A_46 : i32
        %add3A_48 = arith.constant 0 : i32
        %add3A_49 = arith.addi %mul3A_47, %add3A_48 : i32
        %dma_start3A_50 = arith.constant 0 : i32
        %dma_start3A_51 = tpu.memref_slice %arg12[%add3A_49, %dma_start3A_50] : memref<60x128xi32, #tpu.memory_space<vmem>> -> memref<1x128xi32, #tpu.memory_space<vmem>>
        %dma_start3A_52 = tpu.memref_squeeze %dma_start3A_51 : memref<1x128xi32, #tpu.memory_space<vmem>> -> memref<128xi32, #tpu.memory_space<vmem>>
        %dma_start3A_53 = arith.constant 0 : i32
        %dma_start3A_54 = arith.constant 0 : i32
        %dma_start3A_55 = tpu.memref_slice %arg2[%dma_start3A_53, %dma_start3A_54] : memref<30000x64xbf16, #tpu.memory_space<hbm>> -> memref<30000x64xbf16, #tpu.memory_space<hbm>>
        tpu.enqueue_indirect_dma source(%dma_start3A_55 : memref<30000x64xbf16, #tpu.memory_space<hbm>>) target(%arg14 : memref<128x64xbf16, #tpu.memory_space<vmem>>) offsets(%dma_start3A_52 : memref<128xi32, #tpu.memory_space<vmem>>) semaphore(%arg21 : memref<!tpu.dma_semaphore, #tpu.memory_space<semaphore_mem>>)
        %add3A_56 = arith.constant 1 : i32
        %add3A_57 = arith.addi %mul3A_47, %add3A_56 : i32
        %dma_start3A_58 = arith.constant 0 : i32
        %dma_start3A_59 = tpu.memref_slice %arg12[%add3A_57, %dma_start3A_58] : memref<60x128xi32, #tpu.memory_space<vmem>> -> memref<1x128xi32, #tpu.memory_space<vmem>>
        %dma_start3A_60 = tpu.memref_squeeze %dma_start3A_59 : memref<1x128xi32, #tpu.memory_space<vmem>> -> memref<128xi32, #tpu.memory_space<vmem>>
        %dma_start3A_61 = arith.constant 0 : i32
        %dma_start3A_62 = arith.constant 0 : i32
        %dma_start3A_63 = tpu.memref_slice %arg2[%dma_start3A_61, %dma_start3A_62] : memref<30000x64xbf16, #tpu.memory_space<hbm>> -> memref<30000x64xbf16, #tpu.memory_space<hbm>>
        tpu.enqueue_indirect_dma source(%dma_start3A_63 : memref<30000x64xbf16, #tpu.memory_space<hbm>>) target(%arg15 : memref<128x64xbf16, #tpu.memory_space<vmem>>) offsets(%dma_start3A_60 : memref<128xi32, #tpu.memory_space<vmem>>) semaphore(%arg22 : memref<!tpu.dma_semaphore, #tpu.memory_space<semaphore_mem>>)
        %add3A_64 = arith.constant 2 : i32
        %add3A_65 = arith.addi %mul3A_47, %add3A_64 : i32
        %dma_start3A_66 = arith.constant 0 : i32
        %dma_start3A_67 = tpu.memref_slice %arg12[%add3A_65, %dma_start3A_66] : memref<60x128xi32, #tpu.memory_space<vmem>> -> memref<1x128xi32, #tpu.memory_space<vmem>>
        %dma_start3A_68 = tpu.memref_squeeze %dma_start3A_67 : memref<1x128xi32, #tpu.memory_space<vmem>> -> memref<128xi32, #tpu.memory_space<vmem>>
        %dma_start3A_69 = arith.constant 0 : i32
        %dma_start3A_70 = arith.constant 0 : i32
        %dma_start3A_71 = tpu.memref_slice %arg2[%dma_start3A_69, %dma_start3A_70] : memref<30000x64xbf16, #tpu.memory_space<hbm>> -> memref<30000x64xbf16, #tpu.memory_space<hbm>>
        tpu.enqueue_indirect_dma source(%dma_start3A_71 : memref<30000x64xbf16, #tpu.memory_space<hbm>>) target(%arg16 : memref<128x64xbf16, #tpu.memory_space<vmem>>) offsets(%dma_start3A_68 : memref<128xi32, #tpu.memory_space<vmem>>) semaphore(%arg23 : memref<!tpu.dma_semaphore, #tpu.memory_space<semaphore_mem>>)
        %add3A_72 = arith.constant 3 : i32
        %add3A_73 = arith.addi %mul3A_47, %add3A_72 : i32
        %dma_start3A_74 = arith.constant 0 : i32
        %dma_start3A_75 = tpu.memref_slice %arg12[%add3A_73, %dma_start3A_74] : memref<60x128xi32, #tpu.memory_space<vmem>> -> memref<1x128xi32, #tpu.memory_space<vmem>>
        %dma_start3A_76 = tpu.memref_squeeze %dma_start3A_75 : memref<1x128xi32, #tpu.memory_space<vmem>> -> memref<128xi32, #tpu.memory_space<vmem>>
        %dma_start3A_77 = arith.constant 0 : i32
        %dma_start3A_78 = arith.constant 0 : i32
        %dma_start3A_79 = tpu.memref_slice %arg2[%dma_start3A_77, %dma_start3A_78] : memref<30000x64xbf16, #tpu.memory_space<hbm>> -> memref<30000x64xbf16, #tpu.memory_space<hbm>>
        tpu.enqueue_indirect_dma source(%dma_start3A_79 : memref<30000x64xbf16, #tpu.memory_space<hbm>>) target(%arg17 : memref<128x64xbf16, #tpu.memory_space<vmem>>) offsets(%dma_start3A_76 : memref<128xi32, #tpu.memory_space<vmem>>) semaphore(%arg24 : memref<!tpu.dma_semaphore, #tpu.memory_space<semaphore_mem>>)
        %add3A_80 = arith.constant 4 : i32
        %add3A_81 = arith.addi %mul3A_47, %add3A_80 : i32
        %dma_start3A_82 = arith.constant 0 : i32
        %dma_start3A_83 = tpu.memref_slice %arg12[%add3A_81, %dma_start3A_82] : memref<60x128xi32, #tpu.memory_space<vmem>> -> memref<1x128xi32, #tpu.memory_space<vmem>>
        %dma_start3A_84 = tpu.memref_squeeze %dma_start3A_83 : memref<1x128xi32, #tpu.memory_space<vmem>> -> memref<128xi32, #tpu.memory_space<vmem>>
        %dma_start3A_85 = arith.constant 0 : i32
        %dma_start3A_86 = arith.constant 0 : i32
        %dma_start3A_87 = tpu.memref_slice %arg2[%dma_start3A_85, %dma_start3A_86] : memref<30000x64xbf16, #tpu.memory_space<hbm>> -> memref<30000x64xbf16, #tpu.memory_space<hbm>>
        tpu.enqueue_indirect_dma source(%dma_start3A_87 : memref<30000x64xbf16, #tpu.memory_space<hbm>>) target(%arg18 : memref<128x64xbf16, #tpu.memory_space<vmem>>) offsets(%dma_start3A_84 : memref<128xi32, #tpu.memory_space<vmem>>) semaphore(%arg25 : memref<!tpu.dma_semaphore, #tpu.memory_space<semaphore_mem>>)
        %add3A_88 = arith.constant 5 : i32
        %add3A_89 = arith.addi %mul3A_47, %add3A_88 : i32
        %dma_start3A_90 = arith.constant 0 : i32
        %dma_start3A_91 = tpu.memref_slice %arg12[%add3A_89, %dma_start3A_90] : memref<60x128xi32, #tpu.memory_space<vmem>> -> memref<1x128xi32, #tpu.memory_space<vmem>>
        %dma_start3A_92 = tpu.memref_squeeze %dma_start3A_91 : memref<1x128xi32, #tpu.memory_space<vmem>> -> memref<128xi32, #tpu.memory_space<vmem>>
        %dma_start3A_93 = arith.constant 0 : i32
        %dma_start3A_94 = arith.constant 0 : i32
        %dma_start3A_95 = tpu.memref_slice %arg2[%dma_start3A_93, %dma_start3A_94] : memref<30000x64xbf16, #tpu.memory_space<hbm>> -> memref<30000x64xbf16, #tpu.memory_space<hbm>>
        tpu.enqueue_indirect_dma source(%dma_start3A_95 : memref<30000x64xbf16, #tpu.memory_space<hbm>>) target(%arg19 : memref<128x64xbf16, #tpu.memory_space<vmem>>) offsets(%dma_start3A_92 : memref<128xi32, #tpu.memory_space<vmem>>) semaphore(%arg26 : memref<!tpu.dma_semaphore, #tpu.memory_space<semaphore_mem>>)
        %dma_wait3A_96 = arith.constant 0 : i32
        %dma_wait3A_97 = tpu.memref_slice %arg12[%add3A_49, %dma_wait3A_96] : memref<60x128xi32, #tpu.memory_space<vmem>> -> memref<1x128xi32, #tpu.memory_space<vmem>>
        %dma_wait3A_98 = tpu.memref_squeeze %dma_wait3A_97 : memref<1x128xi32, #tpu.memory_space<vmem>> -> memref<128xi32, #tpu.memory_space<vmem>>
        %dma_wait3A_99 = arith.constant 0 : i32
        %dma_wait3A_100 = arith.constant 0 : i32
        %dma_wait3A_101 = tpu.memref_slice %arg2[%dma_wait3A_99, %dma_wait3A_100] : memref<30000x64xbf16, #tpu.memory_space<hbm>> -> memref<30000x64xbf16, #tpu.memory_space<hbm>>
        tpu.wait_indirect_dma semaphore(%arg21 : memref<!tpu.dma_semaphore, #tpu.memory_space<semaphore_mem>>) src(%dma_wait3A_101 : memref<30000x64xbf16, #tpu.memory_space<hbm>>) dst(%arg14 : memref<128x64xbf16, #tpu.memory_space<vmem>>)
        %add3A_102 = arith.constant 0 : i32
        %add3A_103 = arith.addi %mul3A_47, %add3A_102 : i32
        %dma_start3A_104 = arith.constant 0 : i32
        %dma_start3A_105 = tpu.memref_slice %arg13[%add3A_103, %dma_start3A_104] : memref<60x128xi32, #tpu.memory_space<vmem>> -> memref<1x128xi32, #tpu.memory_space<vmem>>
        %dma_start3A_106 = tpu.memref_squeeze %dma_start3A_105 : memref<1x128xi32, #tpu.memory_space<vmem>> -> memref<128xi32, #tpu.memory_space<vmem>>
        %dma_start3A_107 = arith.constant 0 : i32
        %dma_start3A_108 = arith.constant 0 : i32
        %dma_start3A_109 = tpu.memref_slice %arg10[%dma_start3A_107, %dma_start3A_108] : memref<40448x64xbf16, #tpu.memory_space<vmem_shared>> -> memref<40448x64xbf16, #tpu.memory_space<vmem_shared>>
        tpu.enqueue_indirect_dma source(%arg14 : memref<128x64xbf16, #tpu.memory_space<vmem>>) target(%dma_start3A_109 : memref<40448x64xbf16, #tpu.memory_space<vmem_shared>>) offsets(%dma_start3A_106 : memref<128xi32, #tpu.memory_space<vmem>>) semaphore(%arg27 : memref<!tpu.dma_semaphore, #tpu.memory_space<semaphore_mem>>) {add = true}
        %add3A_110 = arith.constant 0 : i32
        %add3A_111 = arith.addi %mul3A_47, %add3A_110 : i32
        %dma_start3A_112 = arith.constant 0 : i32
        %dma_start3A_113 = tpu.memref_slice %arg13[%add3A_111, %dma_start3A_112] : memref<60x128xi32, #tpu.memory_space<vmem>> -> memref<1x128xi32, #tpu.memory_space<vmem>>
        %dma_start3A_114 = tpu.memref_squeeze %dma_start3A_113 : memref<1x128xi32, #tpu.memory_space<vmem>> -> memref<128xi32, #tpu.memory_space<vmem>>
        %dma_start3A_115 = arith.constant 0 : i32
        %dma_start3A_116 = tpu.memref_slice %arg11[%dma_start3A_115] : memref<40448xf32, #tpu.memory_space<vmem_shared>> -> memref<40448xf32, #tpu.memory_space<vmem_shared>>
        tpu.enqueue_indirect_dma source(%arg20 : memref<128xf32, #tpu.memory_space<vmem>>) target(%dma_start3A_116 : memref<40448xf32, #tpu.memory_space<vmem_shared>>) offsets(%dma_start3A_114 : memref<128xi32, #tpu.memory_space<vmem>>) semaphore(%arg33 : memref<!tpu.dma_semaphore, #tpu.memory_space<semaphore_mem>>) {add = true}
        %dma_wait3A_117 = arith.constant 0 : i32
        %dma_wait3A_118 = tpu.memref_slice %arg12[%add3A_57, %dma_wait3A_117] : memref<60x128xi32, #tpu.memory_space<vmem>> -> memref<1x128xi32, #tpu.memory_space<vmem>>
        %dma_wait3A_119 = tpu.memref_squeeze %dma_wait3A_118 : memref<1x128xi32, #tpu.memory_space<vmem>> -> memref<128xi32, #tpu.memory_space<vmem>>
        %dma_wait3A_120 = arith.constant 0 : i32
        %dma_wait3A_121 = arith.constant 0 : i32
        %dma_wait3A_122 = tpu.memref_slice %arg2[%dma_wait3A_120, %dma_wait3A_121] : memref<30000x64xbf16, #tpu.memory_space<hbm>> -> memref<30000x64xbf16, #tpu.memory_space<hbm>>
        tpu.wait_indirect_dma semaphore(%arg22 : memref<!tpu.dma_semaphore, #tpu.memory_space<semaphore_mem>>) src(%dma_wait3A_122 : memref<30000x64xbf16, #tpu.memory_space<hbm>>) dst(%arg15 : memref<128x64xbf16, #tpu.memory_space<vmem>>)
        %add3A_123 = arith.constant 1 : i32
        %add3A_124 = arith.addi %mul3A_47, %add3A_123 : i32
        %dma_start3A_125 = arith.constant 0 : i32
        %dma_start3A_126 = tpu.memref_slice %arg13[%add3A_124, %dma_start3A_125] : memref<60x128xi32, #tpu.memory_space<vmem>> -> memref<1x128xi32, #tpu.memory_space<vmem>>
        %dma_start3A_127 = tpu.memref_squeeze %dma_start3A_126 : memref<1x128xi32, #tpu.memory_space<vmem>> -> memref<128xi32, #tpu.memory_space<vmem>>
        %dma_start3A_128 = arith.constant 0 : i32
        %dma_start3A_129 = arith.constant 0 : i32
        %dma_start3A_130 = tpu.memref_slice %arg10[%dma_start3A_128, %dma_start3A_129] : memref<40448x64xbf16, #tpu.memory_space<vmem_shared>> -> memref<40448x64xbf16, #tpu.memory_space<vmem_shared>>
        tpu.enqueue_indirect_dma source(%arg15 : memref<128x64xbf16, #tpu.memory_space<vmem>>) target(%dma_start3A_130 : memref<40448x64xbf16, #tpu.memory_space<vmem_shared>>) offsets(%dma_start3A_127 : memref<128xi32, #tpu.memory_space<vmem>>) semaphore(%arg28 : memref<!tpu.dma_semaphore, #tpu.memory_space<semaphore_mem>>) {add = true}
        %add3A_131 = arith.constant 1 : i32
        %add3A_132 = arith.addi %mul3A_47, %add3A_131 : i32
        %dma_start3A_133 = arith.constant 0 : i32
        %dma_start3A_134 = tpu.memref_slice %arg13[%add3A_132, %dma_start3A_133] : memref<60x128xi32, #tpu.memory_space<vmem>> -> memref<1x128xi32, #tpu.memory_space<vmem>>
        %dma_start3A_135 = tpu.memref_squeeze %dma_start3A_134 : memref<1x128xi32, #tpu.memory_space<vmem>> -> memref<128xi32, #tpu.memory_space<vmem>>
        %dma_start3A_136 = arith.constant 0 : i32
        %dma_start3A_137 = tpu.memref_slice %arg11[%dma_start3A_136] : memref<40448xf32, #tpu.memory_space<vmem_shared>> -> memref<40448xf32, #tpu.memory_space<vmem_shared>>
        tpu.enqueue_indirect_dma source(%arg20 : memref<128xf32, #tpu.memory_space<vmem>>) target(%dma_start3A_137 : memref<40448xf32, #tpu.memory_space<vmem_shared>>) offsets(%dma_start3A_135 : memref<128xi32, #tpu.memory_space<vmem>>) semaphore(%arg33 : memref<!tpu.dma_semaphore, #tpu.memory_space<semaphore_mem>>) {add = true}
        %dma_wait3A_138 = arith.constant 0 : i32
        %dma_wait3A_139 = tpu.memref_slice %arg12[%add3A_65, %dma_wait3A_138] : memref<60x128xi32, #tpu.memory_space<vmem>> -> memref<1x128xi32, #tpu.memory_space<vmem>>
        %dma_wait3A_140 = tpu.memref_squeeze %dma_wait3A_139 : memref<1x128xi32, #tpu.memory_space<vmem>> -> memref<128xi32, #tpu.memory_space<vmem>>
        %dma_wait3A_141 = arith.constant 0 : i32
        %dma_wait3A_142 = arith.constant 0 : i32
        %dma_wait3A_143 = tpu.memref_slice %arg2[%dma_wait3A_141, %dma_wait3A_142] : memref<30000x64xbf16, #tpu.memory_space<hbm>> -> memref<30000x64xbf16, #tpu.memory_space<hbm>>
        tpu.wait_indirect_dma semaphore(%arg23 : memref<!tpu.dma_semaphore, #tpu.memory_space<semaphore_mem>>) src(%dma_wait3A_143 : memref<30000x64xbf16, #tpu.memory_space<hbm>>) dst(%arg16 : memref<128x64xbf16, #tpu.memory_space<vmem>>)
        %add3A_144 = arith.constant 2 : i32
        %add3A_145 = arith.addi %mul3A_47, %add3A_144 : i32
        %dma_start3A_146 = arith.constant 0 : i32
        %dma_start3A_147 = tpu.memref_slice %arg13[%add3A_145, %dma_start3A_146] : memref<60x128xi32, #tpu.memory_space<vmem>> -> memref<1x128xi32, #tpu.memory_space<vmem>>
        %dma_start3A_148 = tpu.memref_squeeze %dma_start3A_147 : memref<1x128xi32, #tpu.memory_space<vmem>> -> memref<128xi32, #tpu.memory_space<vmem>>
        %dma_start3A_149 = arith.constant 0 : i32
        %dma_start3A_150 = arith.constant 0 : i32
        %dma_start3A_151 = tpu.memref_slice %arg10[%dma_start3A_149, %dma_start3A_150] : memref<40448x64xbf16, #tpu.memory_space<vmem_shared>> -> memref<40448x64xbf16, #tpu.memory_space<vmem_shared>>
        tpu.enqueue_indirect_dma source(%arg16 : memref<128x64xbf16, #tpu.memory_space<vmem>>) target(%dma_start3A_151 : memref<40448x64xbf16, #tpu.memory_space<vmem_shared>>) offsets(%dma_start3A_148 : memref<128xi32, #tpu.memory_space<vmem>>) semaphore(%arg29 : memref<!tpu.dma_semaphore, #tpu.memory_space<semaphore_mem>>) {add = true}
        %add3A_152 = arith.constant 2 : i32
        %add3A_153 = arith.addi %mul3A_47, %add3A_152 : i32
        %dma_start3A_154 = arith.constant 0 : i32
        %dma_start3A_155 = tpu.memref_slice %arg13[%add3A_153, %dma_start3A_154] : memref<60x128xi32, #tpu.memory_space<vmem>> -> memref<1x128xi32, #tpu.memory_space<vmem>>
        %dma_start3A_156 = tpu.memref_squeeze %dma_start3A_155 : memref<1x128xi32, #tpu.memory_space<vmem>> -> memref<128xi32, #tpu.memory_space<vmem>>
        %dma_start3A_157 = arith.constant 0 : i32
        %dma_start3A_158 = tpu.memref_slice %arg11[%dma_start3A_157] : memref<40448xf32, #tpu.memory_space<vmem_shared>> -> memref<40448xf32, #tpu.memory_space<vmem_shared>>
        tpu.enqueue_indirect_dma source(%arg20 : memref<128xf32, #tpu.memory_space<vmem>>) target(%dma_start3A_158 : memref<40448xf32, #tpu.memory_space<vmem_shared>>) offsets(%dma_start3A_156 : memref<128xi32, #tpu.memory_space<vmem>>) semaphore(%arg33 : memref<!tpu.dma_semaphore, #tpu.memory_space<semaphore_mem>>) {add = true}
        %dma_wait3A_159 = arith.constant 0 : i32
        %dma_wait3A_160 = tpu.memref_slice %arg12[%add3A_73, %dma_wait3A_159] : memref<60x128xi32, #tpu.memory_space<vmem>> -> memref<1x128xi32, #tpu.memory_space<vmem>>
        %dma_wait3A_161 = tpu.memref_squeeze %dma_wait3A_160 : memref<1x128xi32, #tpu.memory_space<vmem>> -> memref<128xi32, #tpu.memory_space<vmem>>
        %dma_wait3A_162 = arith.constant 0 : i32
        %dma_wait3A_163 = arith.constant 0 : i32
        %dma_wait3A_164 = tpu.memref_slice %arg2[%dma_wait3A_162, %dma_wait3A_163] : memref<30000x64xbf16, #tpu.memory_space<hbm>> -> memref<30000x64xbf16, #tpu.memory_space<hbm>>
        tpu.wait_indirect_dma semaphore(%arg24 : memref<!tpu.dma_semaphore, #tpu.memory_space<semaphore_mem>>) src(%dma_wait3A_164 : memref<30000x64xbf16, #tpu.memory_space<hbm>>) dst(%arg17 : memref<128x64xbf16, #tpu.memory_space<vmem>>)
        %add3A_165 = arith.constant 3 : i32
        %add3A_166 = arith.addi %mul3A_47, %add3A_165 : i32
        %dma_start3A_167 = arith.constant 0 : i32
        %dma_start3A_168 = tpu.memref_slice %arg13[%add3A_166, %dma_start3A_167] : memref<60x128xi32, #tpu.memory_space<vmem>> -> memref<1x128xi32, #tpu.memory_space<vmem>>
        %dma_start3A_169 = tpu.memref_squeeze %dma_start3A_168 : memref<1x128xi32, #tpu.memory_space<vmem>> -> memref<128xi32, #tpu.memory_space<vmem>>
        %dma_start3A_170 = arith.constant 0 : i32
        %dma_start3A_171 = arith.constant 0 : i32
        %dma_start3A_172 = tpu.memref_slice %arg10[%dma_start3A_170, %dma_start3A_171] : memref<40448x64xbf16, #tpu.memory_space<vmem_shared>> -> memref<40448x64xbf16, #tpu.memory_space<vmem_shared>>
        tpu.enqueue_indirect_dma source(%arg17 : memref<128x64xbf16, #tpu.memory_space<vmem>>) target(%dma_start3A_172 : memref<40448x64xbf16, #tpu.memory_space<vmem_shared>>) offsets(%dma_start3A_169 : memref<128xi32, #tpu.memory_space<vmem>>) semaphore(%arg30 : memref<!tpu.dma_semaphore, #tpu.memory_space<semaphore_mem>>) {add = true}
        %add3A_173 = arith.constant 3 : i32
        %add3A_174 = arith.addi %mul3A_47, %add3A_173 : i32
        %dma_start3A_175 = arith.constant 0 : i32
        %dma_start3A_176 = tpu.memref_slice %arg13[%add3A_174, %dma_start3A_175] : memref<60x128xi32, #tpu.memory_space<vmem>> -> memref<1x128xi32, #tpu.memory_space<vmem>>
        %dma_start3A_177 = tpu.memref_squeeze %dma_start3A_176 : memref<1x128xi32, #tpu.memory_space<vmem>> -> memref<128xi32, #tpu.memory_space<vmem>>
        %dma_start3A_178 = arith.constant 0 : i32
        %dma_start3A_179 = tpu.memref_slice %arg11[%dma_start3A_178] : memref<40448xf32, #tpu.memory_space<vmem_shared>> -> memref<40448xf32, #tpu.memory_space<vmem_shared>>
        tpu.enqueue_indirect_dma source(%arg20 : memref<128xf32, #tpu.memory_space<vmem>>) target(%dma_start3A_179 : memref<40448xf32, #tpu.memory_space<vmem_shared>>) offsets(%dma_start3A_177 : memref<128xi32, #tpu.memory_space<vmem>>) semaphore(%arg33 : memref<!tpu.dma_semaphore, #tpu.memory_space<semaphore_mem>>) {add = true}
        %dma_wait3A_180 = arith.constant 0 : i32
        %dma_wait3A_181 = tpu.memref_slice %arg12[%add3A_81, %dma_wait3A_180] : memref<60x128xi32, #tpu.memory_space<vmem>> -> memref<1x128xi32, #tpu.memory_space<vmem>>
        %dma_wait3A_182 = tpu.memref_squeeze %dma_wait3A_181 : memref<1x128xi32, #tpu.memory_space<vmem>> -> memref<128xi32, #tpu.memory_space<vmem>>
        %dma_wait3A_183 = arith.constant 0 : i32
        %dma_wait3A_184 = arith.constant 0 : i32
        %dma_wait3A_185 = tpu.memref_slice %arg2[%dma_wait3A_183, %dma_wait3A_184] : memref<30000x64xbf16, #tpu.memory_space<hbm>> -> memref<30000x64xbf16, #tpu.memory_space<hbm>>
        tpu.wait_indirect_dma semaphore(%arg25 : memref<!tpu.dma_semaphore, #tpu.memory_space<semaphore_mem>>) src(%dma_wait3A_185 : memref<30000x64xbf16, #tpu.memory_space<hbm>>) dst(%arg18 : memref<128x64xbf16, #tpu.memory_space<vmem>>)
        %add3A_186 = arith.constant 4 : i32
        %add3A_187 = arith.addi %mul3A_47, %add3A_186 : i32
        %dma_start3A_188 = arith.constant 0 : i32
        %dma_start3A_189 = tpu.memref_slice %arg13[%add3A_187, %dma_start3A_188] : memref<60x128xi32, #tpu.memory_space<vmem>> -> memref<1x128xi32, #tpu.memory_space<vmem>>
        %dma_start3A_190 = tpu.memref_squeeze %dma_start3A_189 : memref<1x128xi32, #tpu.memory_space<vmem>> -> memref<128xi32, #tpu.memory_space<vmem>>
        %dma_start3A_191 = arith.constant 0 : i32
        %dma_start3A_192 = arith.constant 0 : i32
        %dma_start3A_193 = tpu.memref_slice %arg10[%dma_start3A_191, %dma_start3A_192] : memref<40448x64xbf16, #tpu.memory_space<vmem_shared>> -> memref<40448x64xbf16, #tpu.memory_space<vmem_shared>>
        tpu.enqueue_indirect_dma source(%arg18 : memref<128x64xbf16, #tpu.memory_space<vmem>>) target(%dma_start3A_193 : memref<40448x64xbf16, #tpu.memory_space<vmem_shared>>) offsets(%dma_start3A_190 : memref<128xi32, #tpu.memory_space<vmem>>) semaphore(%arg31 : memref<!tpu.dma_semaphore, #tpu.memory_space<semaphore_mem>>) {add = true}
        %add3A_194 = arith.constant 4 : i32
        %add3A_195 = arith.addi %mul3A_47, %add3A_194 : i32
        %dma_start3A_196 = arith.constant 0 : i32
        %dma_start3A_197 = tpu.memref_slice %arg13[%add3A_195, %dma_start3A_196] : memref<60x128xi32, #tpu.memory_space<vmem>> -> memref<1x128xi32, #tpu.memory_space<vmem>>
        %dma_start3A_198 = tpu.memref_squeeze %dma_start3A_197 : memref<1x128xi32, #tpu.memory_space<vmem>> -> memref<128xi32, #tpu.memory_space<vmem>>
        %dma_start3A_199 = arith.constant 0 : i32
        %dma_start3A_200 = tpu.memref_slice %arg11[%dma_start3A_199] : memref<40448xf32, #tpu.memory_space<vmem_shared>> -> memref<40448xf32, #tpu.memory_space<vmem_shared>>
        tpu.enqueue_indirect_dma source(%arg20 : memref<128xf32, #tpu.memory_space<vmem>>) target(%dma_start3A_200 : memref<40448xf32, #tpu.memory_space<vmem_shared>>) offsets(%dma_start3A_198 : memref<128xi32, #tpu.memory_space<vmem>>) semaphore(%arg33 : memref<!tpu.dma_semaphore, #tpu.memory_space<semaphore_mem>>) {add = true}
        %dma_wait3A_201 = arith.constant 0 : i32
        %dma_wait3A_202 = tpu.memref_slice %arg12[%add3A_89, %dma_wait3A_201] : memref<60x128xi32, #tpu.memory_space<vmem>> -> memref<1x128xi32, #tpu.memory_space<vmem>>
        %dma_wait3A_203 = tpu.memref_squeeze %dma_wait3A_202 : memref<1x128xi32, #tpu.memory_space<vmem>> -> memref<128xi32, #tpu.memory_space<vmem>>
        %dma_wait3A_204 = arith.constant 0 : i32
        %dma_wait3A_205 = arith.constant 0 : i32
        %dma_wait3A_206 = tpu.memref_slice %arg2[%dma_wait3A_204, %dma_wait3A_205] : memref<30000x64xbf16, #tpu.memory_space<hbm>> -> memref<30000x64xbf16, #tpu.memory_space<hbm>>
        tpu.wait_indirect_dma semaphore(%arg26 : memref<!tpu.dma_semaphore, #tpu.memory_space<semaphore_mem>>) src(%dma_wait3A_206 : memref<30000x64xbf16, #tpu.memory_space<hbm>>) dst(%arg19 : memref<128x64xbf16, #tpu.memory_space<vmem>>)
        %add3A_207 = arith.constant 5 : i32
        %add3A_208 = arith.addi %mul3A_47, %add3A_207 : i32
        %dma_start3A_209 = arith.constant 0 : i32
        %dma_start3A_210 = tpu.memref_slice %arg13[%add3A_208, %dma_start3A_209] : memref<60x128xi32, #tpu.memory_space<vmem>> -> memref<1x128xi32, #tpu.memory_space<vmem>>
        %dma_start3A_211 = tpu.memref_squeeze %dma_start3A_210 : memref<1x128xi32, #tpu.memory_space<vmem>> -> memref<128xi32, #tpu.memory_space<vmem>>
        %dma_start3A_212 = arith.constant 0 : i32
        %dma_start3A_213 = arith.constant 0 : i32
        %dma_start3A_214 = tpu.memref_slice %arg10[%dma_start3A_212, %dma_start3A_213] : memref<40448x64xbf16, #tpu.memory_space<vmem_shared>> -> memref<40448x64xbf16, #tpu.memory_space<vmem_shared>>
        tpu.enqueue_indirect_dma source(%arg19 : memref<128x64xbf16, #tpu.memory_space<vmem>>) target(%dma_start3A_214 : memref<40448x64xbf16, #tpu.memory_space<vmem_shared>>) offsets(%dma_start3A_211 : memref<128xi32, #tpu.memory_space<vmem>>) semaphore(%arg32 : memref<!tpu.dma_semaphore, #tpu.memory_space<semaphore_mem>>) {add = true}
        %add3A_215 = arith.constant 5 : i32
        %add3A_216 = arith.addi %mul3A_47, %add3A_215 : i32
        %dma_start3A_217 = arith.constant 0 : i32
        %dma_start3A_218 = tpu.memref_slice %arg13[%add3A_216, %dma_start3A_217] : memref<60x128xi32, #tpu.memory_space<vmem>> -> memref<1x128xi32, #tpu.memory_space<vmem>>
        %dma_start3A_219 = tpu.memref_squeeze %dma_start3A_218 : memref<1x128xi32, #tpu.memory_space<vmem>> -> memref<128xi32, #tpu.memory_space<vmem>>
        %dma_start3A_220 = arith.constant 0 : i32
        %dma_start3A_221 = tpu.memref_slice %arg11[%dma_start3A_220] : memref<40448xf32, #tpu.memory_space<vmem_shared>> -> memref<40448xf32, #tpu.memory_space<vmem_shared>>
        tpu.enqueue_indirect_dma source(%arg20 : memref<128xf32, #tpu.memory_space<vmem>>) target(%dma_start3A_221 : memref<40448xf32, #tpu.memory_space<vmem_shared>>) offsets(%dma_start3A_219 : memref<128xi32, #tpu.memory_space<vmem>>) semaphore(%arg33 : memref<!tpu.dma_semaphore, #tpu.memory_space<semaphore_mem>>) {add = true}
        %dma_wait3A_222 = arith.constant 0 : i32
        %dma_wait3A_223 = tpu.memref_slice %arg13[%add3A_103, %dma_wait3A_222] : memref<60x128xi32, #tpu.memory_space<vmem>> -> memref<1x128xi32, #tpu.memory_space<vmem>>
        %dma_wait3A_224 = tpu.memref_squeeze %dma_wait3A_223 : memref<1x128xi32, #tpu.memory_space<vmem>> -> memref<128xi32, #tpu.memory_space<vmem>>
        %dma_wait3A_225 = arith.constant 0 : i32
        %dma_wait3A_226 = arith.constant 0 : i32
        %dma_wait3A_227 = tpu.memref_slice %arg10[%dma_wait3A_225, %dma_wait3A_226] : memref<40448x64xbf16, #tpu.memory_space<vmem_shared>> -> memref<40448x64xbf16, #tpu.memory_space<vmem_shared>>
        tpu.wait_indirect_dma semaphore(%arg27 : memref<!tpu.dma_semaphore, #tpu.memory_space<semaphore_mem>>) src(%arg14 : memref<128x64xbf16, #tpu.memory_space<vmem>>) dst(%dma_wait3A_227 : memref<40448x64xbf16, #tpu.memory_space<vmem_shared>>)
        %dma_wait3A_228 = arith.constant 0 : i32
        %dma_wait3A_229 = tpu.memref_slice %arg13[%add3A_111, %dma_wait3A_228] : memref<60x128xi32, #tpu.memory_space<vmem>> -> memref<1x128xi32, #tpu.memory_space<vmem>>
        %dma_wait3A_230 = tpu.memref_squeeze %dma_wait3A_229 : memref<1x128xi32, #tpu.memory_space<vmem>> -> memref<128xi32, #tpu.memory_space<vmem>>
        %dma_wait3A_231 = arith.constant 0 : i32
        %dma_wait3A_232 = tpu.memref_slice %arg11[%dma_wait3A_231] : memref<40448xf32, #tpu.memory_space<vmem_shared>> -> memref<40448xf32, #tpu.memory_space<vmem_shared>>
        tpu.wait_indirect_dma semaphore(%arg33 : memref<!tpu.dma_semaphore, #tpu.memory_space<semaphore_mem>>) src(%arg20 : memref<128xf32, #tpu.memory_space<vmem>>) dst(%dma_wait3A_232 : memref<40448xf32, #tpu.memory_space<vmem_shared>>)
        %dma_wait3A_233 = arith.constant 0 : i32
        %dma_wait3A_234 = tpu.memref_slice %arg13[%add3A_124, %dma_wait3A_233] : memref<60x128xi32, #tpu.memory_space<vmem>> -> memref<1x128xi32, #tpu.memory_space<vmem>>
        %dma_wait3A_235 = tpu.memref_squeeze %dma_wait3A_234 : memref<1x128xi32, #tpu.memory_space<vmem>> -> memref<128xi32, #tpu.memory_space<vmem>>
        %dma_wait3A_236 = arith.constant 0 : i32
        %dma_wait3A_237 = arith.constant 0 : i32
        %dma_wait3A_238 = tpu.memref_slice %arg10[%dma_wait3A_236, %dma_wait3A_237] : memref<40448x64xbf16, #tpu.memory_space<vmem_shared>> -> memref<40448x64xbf16, #tpu.memory_space<vmem_shared>>
        tpu.wait_indirect_dma semaphore(%arg28 : memref<!tpu.dma_semaphore, #tpu.memory_space<semaphore_mem>>) src(%arg15 : memref<128x64xbf16, #tpu.memory_space<vmem>>) dst(%dma_wait3A_238 : memref<40448x64xbf16, #tpu.memory_space<vmem_shared>>)
        %dma_wait3A_239 = arith.constant 0 : i32
        %dma_wait3A_240 = tpu.memref_slice %arg13[%add3A_132, %dma_wait3A_239] : memref<60x128xi32, #tpu.memory_space<vmem>> -> memref<1x128xi32, #tpu.memory_space<vmem>>
        %dma_wait3A_241 = tpu.memref_squeeze %dma_wait3A_240 : memref<1x128xi32, #tpu.memory_space<vmem>> -> memref<128xi32, #tpu.memory_space<vmem>>
        %dma_wait3A_242 = arith.constant 0 : i32
        %dma_wait3A_243 = tpu.memref_slice %arg11[%dma_wait3A_242] : memref<40448xf32, #tpu.memory_space<vmem_shared>> -> memref<40448xf32, #tpu.memory_space<vmem_shared>>
        tpu.wait_indirect_dma semaphore(%arg33 : memref<!tpu.dma_semaphore, #tpu.memory_space<semaphore_mem>>) src(%arg20 : memref<128xf32, #tpu.memory_space<vmem>>) dst(%dma_wait3A_243 : memref<40448xf32, #tpu.memory_space<vmem_shared>>)
        %dma_wait3A_244 = arith.constant 0 : i32
        %dma_wait3A_245 = tpu.memref_slice %arg13[%add3A_145, %dma_wait3A_244] : memref<60x128xi32, #tpu.memory_space<vmem>> -> memref<1x128xi32, #tpu.memory_space<vmem>>
        %dma_wait3A_246 = tpu.memref_squeeze %dma_wait3A_245 : memref<1x128xi32, #tpu.memory_space<vmem>> -> memref<128xi32, #tpu.memory_space<vmem>>
        %dma_wait3A_247 = arith.constant 0 : i32
        %dma_wait3A_248 = arith.constant 0 : i32
        %dma_wait3A_249 = tpu.memref_slice %arg10[%dma_wait3A_247, %dma_wait3A_248] : memref<40448x64xbf16, #tpu.memory_space<vmem_shared>> -> memref<40448x64xbf16, #tpu.memory_space<vmem_shared>>
        tpu.wait_indirect_dma semaphore(%arg29 : memref<!tpu.dma_semaphore, #tpu.memory_space<semaphore_mem>>) src(%arg16 : memref<128x64xbf16, #tpu.memory_space<vmem>>) dst(%dma_wait3A_249 : memref<40448x64xbf16, #tpu.memory_space<vmem_shared>>)
        %dma_wait3A_250 = arith.constant 0 : i32
        %dma_wait3A_251 = tpu.memref_slice %arg13[%add3A_153, %dma_wait3A_250] : memref<60x128xi32, #tpu.memory_space<vmem>> -> memref<1x128xi32, #tpu.memory_space<vmem>>
        %dma_wait3A_252 = tpu.memref_squeeze %dma_wait3A_251 : memref<1x128xi32, #tpu.memory_space<vmem>> -> memref<128xi32, #tpu.memory_space<vmem>>
        %dma_wait3A_253 = arith.constant 0 : i32
        %dma_wait3A_254 = tpu.memref_slice %arg11[%dma_wait3A_253] : memref<40448xf32, #tpu.memory_space<vmem_shared>> -> memref<40448xf32, #tpu.memory_space<vmem_shared>>
        tpu.wait_indirect_dma semaphore(%arg33 : memref<!tpu.dma_semaphore, #tpu.memory_space<semaphore_mem>>) src(%arg20 : memref<128xf32, #tpu.memory_space<vmem>>) dst(%dma_wait3A_254 : memref<40448xf32, #tpu.memory_space<vmem_shared>>)
        %dma_wait3A_255 = arith.constant 0 : i32
        %dma_wait3A_256 = tpu.memref_slice %arg13[%add3A_166, %dma_wait3A_255] : memref<60x128xi32, #tpu.memory_space<vmem>> -> memref<1x128xi32, #tpu.memory_space<vmem>>
        %dma_wait3A_257 = tpu.memref_squeeze %dma_wait3A_256 : memref<1x128xi32, #tpu.memory_space<vmem>> -> memref<128xi32, #tpu.memory_space<vmem>>
        %dma_wait3A_258 = arith.constant 0 : i32
        %dma_wait3A_259 = arith.constant 0 : i32
        %dma_wait3A_260 = tpu.memref_slice %arg10[%dma_wait3A_258, %dma_wait3A_259] : memref<40448x64xbf16, #tpu.memory_space<vmem_shared>> -> memref<40448x64xbf16, #tpu.memory_space<vmem_shared>>
        tpu.wait_indirect_dma semaphore(%arg30 : memref<!tpu.dma_semaphore, #tpu.memory_space<semaphore_mem>>) src(%arg17 : memref<128x64xbf16, #tpu.memory_space<vmem>>) dst(%dma_wait3A_260 : memref<40448x64xbf16, #tpu.memory_space<vmem_shared>>)
        %dma_wait3A_261 = arith.constant 0 : i32
        %dma_wait3A_262 = tpu.memref_slice %arg13[%add3A_174, %dma_wait3A_261] : memref<60x128xi32, #tpu.memory_space<vmem>> -> memref<1x128xi32, #tpu.memory_space<vmem>>
        %dma_wait3A_263 = tpu.memref_squeeze %dma_wait3A_262 : memref<1x128xi32, #tpu.memory_space<vmem>> -> memref<128xi32, #tpu.memory_space<vmem>>
        %dma_wait3A_264 = arith.constant 0 : i32
        %dma_wait3A_265 = tpu.memref_slice %arg11[%dma_wait3A_264] : memref<40448xf32, #tpu.memory_space<vmem_shared>> -> memref<40448xf32, #tpu.memory_space<vmem_shared>>
        tpu.wait_indirect_dma semaphore(%arg33 : memref<!tpu.dma_semaphore, #tpu.memory_space<semaphore_mem>>) src(%arg20 : memref<128xf32, #tpu.memory_space<vmem>>) dst(%dma_wait3A_265 : memref<40448xf32, #tpu.memory_space<vmem_shared>>)
        %dma_wait3A_266 = arith.constant 0 : i32
        %dma_wait3A_267 = tpu.memref_slice %arg13[%add3A_187, %dma_wait3A_266] : memref<60x128xi32, #tpu.memory_space<vmem>> -> memref<1x128xi32, #tpu.memory_space<vmem>>
        %dma_wait3A_268 = tpu.memref_squeeze %dma_wait3A_267 : memref<1x128xi32, #tpu.memory_space<vmem>> -> memref<128xi32, #tpu.memory_space<vmem>>
        %dma_wait3A_269 = arith.constant 0 : i32
        %dma_wait3A_270 = arith.constant 0 : i32
        %dma_wait3A_271 = tpu.memref_slice %arg10[%dma_wait3A_269, %dma_wait3A_270] : memref<40448x64xbf16, #tpu.memory_space<vmem_shared>> -> memref<40448x64xbf16, #tpu.memory_space<vmem_shared>>
        tpu.wait_indirect_dma semaphore(%arg31 : memref<!tpu.dma_semaphore, #tpu.memory_space<semaphore_mem>>) src(%arg18 : memref<128x64xbf16, #tpu.memory_space<vmem>>) dst(%dma_wait3A_271 : memref<40448x64xbf16, #tpu.memory_space<vmem_shared>>)
        %dma_wait3A_272 = arith.constant 0 : i32
        %dma_wait3A_273 = tpu.memref_slice %arg13[%add3A_195, %dma_wait3A_272] : memref<60x128xi32, #tpu.memory_space<vmem>> -> memref<1x128xi32, #tpu.memory_space<vmem>>
        %dma_wait3A_274 = tpu.memref_squeeze %dma_wait3A_273 : memref<1x128xi32, #tpu.memory_space<vmem>> -> memref<128xi32, #tpu.memory_space<vmem>>
        %dma_wait3A_275 = arith.constant 0 : i32
        %dma_wait3A_276 = tpu.memref_slice %arg11[%dma_wait3A_275] : memref<40448xf32, #tpu.memory_space<vmem_shared>> -> memref<40448xf32, #tpu.memory_space<vmem_shared>>
        tpu.wait_indirect_dma semaphore(%arg33 : memref<!tpu.dma_semaphore, #tpu.memory_space<semaphore_mem>>) src(%arg20 : memref<128xf32, #tpu.memory_space<vmem>>) dst(%dma_wait3A_276 : memref<40448xf32, #tpu.memory_space<vmem_shared>>)
        %dma_wait3A_277 = arith.constant 0 : i32
        %dma_wait3A_278 = tpu.memref_slice %arg13[%add3A_208, %dma_wait3A_277] : memref<60x128xi32, #tpu.memory_space<vmem>> -> memref<1x128xi32, #tpu.memory_space<vmem>>
        %dma_wait3A_279 = tpu.memref_squeeze %dma_wait3A_278 : memref<1x128xi32, #tpu.memory_space<vmem>> -> memref<128xi32, #tpu.memory_space<vmem>>
        %dma_wait3A_280 = arith.constant 0 : i32
        %dma_wait3A_281 = arith.constant 0 : i32
        %dma_wait3A_282 = tpu.memref_slice %arg10[%dma_wait3A_280, %dma_wait3A_281] : memref<40448x64xbf16, #tpu.memory_space<vmem_shared>> -> memref<40448x64xbf16, #tpu.memory_space<vmem_shared>>
        tpu.wait_indirect_dma semaphore(%arg32 : memref<!tpu.dma_semaphore, #tpu.memory_space<semaphore_mem>>) src(%arg19 : memref<128x64xbf16, #tpu.memory_space<vmem>>) dst(%dma_wait3A_282 : memref<40448x64xbf16, #tpu.memory_space<vmem_shared>>)
        %dma_wait3A_283 = arith.constant 0 : i32
        %dma_wait3A_284 = tpu.memref_slice %arg13[%add3A_216, %dma_wait3A_283] : memref<60x128xi32, #tpu.memory_space<vmem>> -> memref<1x128xi32, #tpu.memory_space<vmem>>
        %dma_wait3A_285 = tpu.memref_squeeze %dma_wait3A_284 : memref<1x128xi32, #tpu.memory_space<vmem>> -> memref<128xi32, #tpu.memory_space<vmem>>
        %dma_wait3A_286 = arith.constant 0 : i32
        %dma_wait3A_287 = tpu.memref_slice %arg11[%dma_wait3A_286] : memref<40448xf32, #tpu.memory_space<vmem_shared>> -> memref<40448xf32, #tpu.memory_space<vmem_shared>>
        tpu.wait_indirect_dma semaphore(%arg33 : memref<!tpu.dma_semaphore, #tpu.memory_space<semaphore_mem>>) src(%arg20 : memref<128xf32, #tpu.memory_space<vmem>>) dst(%dma_wait3A_287 : memref<40448xf32, #tpu.memory_space<vmem_shared>>)
        %scan3A_288 = arith.constant 0 : i32
        scf.yield %scan3A_288 : i32
      }
      %scan3A_42 = arith.constant 10 : i32
      %scan3A_43 = arith.constant 0 : i32
      scf.yield %scan3A_43 : i32
    }
    %scan3A_8 = arith.constant 4 : i32
    %barrier3A_9 = arith.constant 0 : index
    tpu.barrier barrier_id(%barrier3A_9)
    "tpu.region"() ({
      %run_scoped3A = tpu.sem_alloc : memref<!tpu.dma_semaphore, #tpu.memory_space<semaphore_mem>>
      %dma_start3A = arith.constant 0 : i32
      %dma_start3A_10 = tpu.memref_slice %arg8[%arg0, %mul3A_0, %dma_start3A] : memref<2x40448x64xbf16, #tpu.memory_space<hbm>> -> memref<1x2528x64xbf16, #tpu.memory_space<hbm>>
      %dma_start3A_11 = tpu.memref_squeeze %dma_start3A_10 : memref<1x2528x64xbf16, #tpu.memory_space<hbm>> -> memref<2528x64xbf16, #tpu.memory_space<hbm>>
      %dma_start3A_12 = arith.constant 0 : i32
      %dma_start3A_13 = tpu.memref_slice %arg10[%mul3A_0, %dma_start3A_12] : memref<40448x64xbf16, #tpu.memory_space<vmem_shared>> -> memref<2528x64xbf16, #tpu.memory_space<vmem_shared>>
      tpu.enqueue_dma source(%dma_start3A_13 : memref<2528x64xbf16, #tpu.memory_space<vmem_shared>>) target(%dma_start3A_11 : memref<2528x64xbf16, #tpu.memory_space<hbm>>) target_semaphore(%run_scoped3A : memref<!tpu.dma_semaphore, #tpu.memory_space<semaphore_mem>>)
      %dma_wait3A = arith.constant 0 : i32
      %dma_wait3A_14 = tpu.memref_slice %arg8[%arg0, %mul3A_0, %dma_wait3A] : memref<2x40448x64xbf16, #tpu.memory_space<hbm>> -> memref<1x2528x64xbf16, #tpu.memory_space<hbm>>
      %dma_wait3A_15 = tpu.memref_squeeze %dma_wait3A_14 : memref<1x2528x64xbf16, #tpu.memory_space<hbm>> -> memref<2528x64xbf16, #tpu.memory_space<hbm>>
      %dma_wait3A_16 = arith.constant 0 : i32
      %dma_wait3A_17 = tpu.memref_slice %arg10[%mul3A_0, %dma_wait3A_16] : memref<40448x64xbf16, #tpu.memory_space<vmem_shared>> -> memref<2528x64xbf16, #tpu.memory_space<vmem_shared>>
      tpu.wait_dma2 semaphore(%run_scoped3A : memref<!tpu.dma_semaphore, #tpu.memory_space<semaphore_mem>>) src(%dma_wait3A_17 : memref<2528x64xbf16, #tpu.memory_space<vmem_shared>>) dst(%dma_wait3A_15 : memref<2528x64xbf16, #tpu.memory_space<hbm>>)
      tpu.yield
    }) : () -> ()
    "tpu.region"() ({
      %run_scoped3A = tpu.sem_alloc : memref<!tpu.dma_semaphore, #tpu.memory_space<semaphore_mem>>
      %dma_start3A = tpu.memref_slice %arg9[%arg0, %mul3A_0] : memref<2x40448xf32, #tpu.memory_space<hbm>> -> memref<1x2528xf32, #tpu.memory_space<hbm>>
      %dma_start3A_10 = tpu.memref_squeeze %dma_start3A : memref<1x2528xf32, #tpu.memory_space<hbm>> -> memref<2528xf32, #tpu.memory_space<hbm>>
      %dma_start3A_11 = tpu.memref_slice %arg11[%mul3A_0] : memref<40448xf32, #tpu.memory_space<vmem_shared>> -> memref<2528xf32, #tpu.memory_space<vmem_shared>>
      tpu.enqueue_dma source(%dma_start3A_11 : memref<2528xf32, #tpu.memory_space<vmem_shared>>) target(%dma_start3A_10 : memref<2528xf32, #tpu.memory_space<hbm>>) target_semaphore(%run_scoped3A : memref<!tpu.dma_semaphore, #tpu.memory_space<semaphore_mem>>)
      %dma_wait3A = tpu.memref_slice %arg9[%arg0, %mul3A_0] : memref<2x40448xf32, #tpu.memory_space<hbm>> -> memref<1x2528xf32, #tpu.memory_space<hbm>>
      %dma_wait3A_12 = tpu.memref_squeeze %dma_wait3A : memref<1x2528xf32, #tpu.memory_space<hbm>> -> memref<2528xf32, #tpu.memory_space<hbm>>
      %dma_wait3A_13 = tpu.memref_slice %arg11[%mul3A_0] : memref<40448xf32, #tpu.memory_space<vmem_shared>> -> memref<2528xf32, #tpu.memory_space<vmem_shared>>
      tpu.wait_dma2 semaphore(%run_scoped3A : memref<!tpu.dma_semaphore, #tpu.memory_space<semaphore_mem>>) src(%dma_wait3A_13 : memref<2528xf32, #tpu.memory_space<vmem_shared>>) dst(%dma_wait3A_12 : memref<2528xf32, #tpu.memory_space<hbm>>)
      tpu.yield
    }) : () -> ()
    return
  }
}

module attributes {stable_mosaic.version = 14 : i64} {
  func.func @_proj_body(%arg0: memref<10000x128xf32, #tpu.memory_space<vmem>>, %arg1: memref<10000x128xf32, #tpu.memory_space<vmem>>, %arg2: memref<128x64xf32, #tpu.memory_space<vmem>>, %arg3: memref<64xf32, #tpu.memory_space<vmem>>, %arg4: memref<128x64xf32, #tpu.memory_space<vmem>>, %arg5: memref<64xf32, #tpu.memory_space<vmem>>, %arg6: memref<2x64x64xf32, #tpu.memory_space<vmem>>, %arg7: memref<3x2xf32, #tpu.memory_space<smem>>, %arg8: memref<30000x64xbf16, #tpu.memory_space<vmem>>) attributes {dimension_semantics = [], scalar_prefetch = 0 : i64, scratch_operands = 0 : i64, tpu.core_type = #tpu.core_type<tc>} {
    %get3A = arith.constant 0 : index
    %get3A_0 = arith.constant 0 : index
    %get3A_1 = vector.load %arg0[%get3A, %get3A_0] : memref<10000x128xf32, #tpu.memory_space<vmem>>, vector<10000x128xf32>
    %get3A_2 = arith.constant 0 : index
    %get3A_3 = arith.constant 0 : index
    %get3A_4 = vector.load %arg2[%get3A_2, %get3A_3] : memref<128x64xf32, #tpu.memory_space<vmem>>, vector<128x64xf32>
    %dot_general3A = arith.constant dense<0.000000e+00> : vector<10000x64xf32>
    %dot_general3A_5 = tpu.matmul %get3A_1, %get3A_4, %dot_general3A {dimension_numbers = #tpu.dot_dimension_numbers<[1], [0], [0], [1], [0, 0, 1, 1], [], []>, transpose_lhs_hint = false} : vector<10000x128xf32>, vector<128x64xf32>, vector<10000x64xf32> -> vector<10000x64xf32>
    %get3A_6 = arith.constant 0 : index
    %get3A_7 = vector.load %arg3[%get3A_6] : memref<64xf32, #tpu.memory_space<vmem>>, vector<64xf32>
    %broadcast_in_dim3A = vector.shape_cast %get3A_7 : vector<64xf32> to vector<1x64xf32>
    %add3A = vector.broadcast %broadcast_in_dim3A : vector<1x64xf32> to vector<10000x64xf32>
    %add3A_8 = arith.addf %dot_general3A_5, %add3A : vector<10000x64xf32>
    %get3A_9 = arith.constant 0 : index
    %get3A_10 = arith.constant 0 : index
    %get3A_11 = vector.load %arg1[%get3A_9, %get3A_10] : memref<10000x128xf32, #tpu.memory_space<vmem>>, vector<10000x128xf32>
    %get3A_12 = arith.constant 0 : index
    %get3A_13 = arith.constant 0 : index
    %get3A_14 = vector.load %arg4[%get3A_12, %get3A_13] : memref<128x64xf32, #tpu.memory_space<vmem>>, vector<128x64xf32>
    %dot_general3A_15 = arith.constant dense<0.000000e+00> : vector<10000x64xf32>
    %dot_general3A_16 = tpu.matmul %get3A_11, %get3A_14, %dot_general3A_15 {dimension_numbers = #tpu.dot_dimension_numbers<[1], [0], [0], [1], [0, 0, 1, 1], [], []>, transpose_lhs_hint = false} : vector<10000x128xf32>, vector<128x64xf32>, vector<10000x64xf32> -> vector<10000x64xf32>
    %get3A_17 = arith.constant 0 : index
    %get3A_18 = vector.load %arg5[%get3A_17] : memref<64xf32, #tpu.memory_space<vmem>>, vector<64xf32>
    %broadcast_in_dim3A_19 = vector.shape_cast %get3A_18 : vector<64xf32> to vector<1x64xf32>
    %add3A_20 = vector.broadcast %broadcast_in_dim3A_19 : vector<1x64xf32> to vector<10000x64xf32>
    %add3A_21 = arith.addf %dot_general3A_16, %add3A_20 : vector<10000x64xf32>
    %get3A_22 = arith.constant 0 : index
    %get3A_23 = arith.constant 0 : index
    %get3A_24 = arith.constant 0 : index
    %get3A_25 = vector.load %arg6[%get3A_22, %get3A_23, %get3A_24] : memref<2x64x64xf32, #tpu.memory_space<vmem>>, vector<2x64x64xf32>
    %get3A_26 = arith.constant 0 : index
    %get3A_27 = arith.constant 0 : index
    %get3A_28 = memref.load %arg7[%get3A_26, %get3A_27] : memref<3x2xf32, #tpu.memory_space<smem>>
    %slice3A = vector.extract_strided_slice %get3A_25 {offsets = [0, 0, 0], sizes = [1, 64, 64], strides = [1, 1, 1]} : vector<2x64x64xf32> to vector<1x64x64xf32>
    %squeeze3A = vector.shape_cast %slice3A : vector<1x64x64xf32> to vector<64x64xf32>
    %mul3A = vector.broadcast %get3A_28 : f32 to vector<64x64xf32>
    %mul3A_29 = arith.mulf %mul3A, %squeeze3A : vector<64x64xf32>
    %get3A_30 = arith.constant 0 : index
    %get3A_31 = arith.constant 1 : index
    %get3A_32 = memref.load %arg7[%get3A_30, %get3A_31] : memref<3x2xf32, #tpu.memory_space<smem>>
    %slice3A_33 = vector.extract_strided_slice %get3A_25 {offsets = [1, 0, 0], sizes = [1, 64, 64], strides = [1, 1, 1]} : vector<2x64x64xf32> to vector<1x64x64xf32>
    %squeeze3A_34 = vector.shape_cast %slice3A_33 : vector<1x64x64xf32> to vector<64x64xf32>
    %mul3A_35 = vector.broadcast %get3A_32 : f32 to vector<64x64xf32>
    %mul3A_36 = arith.mulf %mul3A_35, %squeeze3A_34 : vector<64x64xf32>
    %add3A_37 = arith.addf %mul3A_29, %mul3A_36 : vector<64x64xf32>
    %get3A_38 = arith.constant 1 : index
    %get3A_39 = arith.constant 0 : index
    %get3A_40 = memref.load %arg7[%get3A_38, %get3A_39] : memref<3x2xf32, #tpu.memory_space<smem>>
    %slice3A_41 = vector.extract_strided_slice %get3A_25 {offsets = [0, 0, 0], sizes = [1, 64, 64], strides = [1, 1, 1]} : vector<2x64x64xf32> to vector<1x64x64xf32>
    %squeeze3A_42 = vector.shape_cast %slice3A_41 : vector<1x64x64xf32> to vector<64x64xf32>
    %mul3A_43 = vector.broadcast %get3A_40 : f32 to vector<64x64xf32>
    %mul3A_44 = arith.mulf %mul3A_43, %squeeze3A_42 : vector<64x64xf32>
    %get3A_45 = arith.constant 1 : index
    %get3A_46 = arith.constant 1 : index
    %get3A_47 = memref.load %arg7[%get3A_45, %get3A_46] : memref<3x2xf32, #tpu.memory_space<smem>>
    %slice3A_48 = vector.extract_strided_slice %get3A_25 {offsets = [1, 0, 0], sizes = [1, 64, 64], strides = [1, 1, 1]} : vector<2x64x64xf32> to vector<1x64x64xf32>
    %squeeze3A_49 = vector.shape_cast %slice3A_48 : vector<1x64x64xf32> to vector<64x64xf32>
    %mul3A_50 = vector.broadcast %get3A_47 : f32 to vector<64x64xf32>
    %mul3A_51 = arith.mulf %mul3A_50, %squeeze3A_49 : vector<64x64xf32>
    %add3A_52 = arith.addf %mul3A_44, %mul3A_51 : vector<64x64xf32>
    %get3A_53 = arith.constant 2 : index
    %get3A_54 = arith.constant 0 : index
    %get3A_55 = memref.load %arg7[%get3A_53, %get3A_54] : memref<3x2xf32, #tpu.memory_space<smem>>
    %slice3A_56 = vector.extract_strided_slice %get3A_25 {offsets = [0, 0, 0], sizes = [1, 64, 64], strides = [1, 1, 1]} : vector<2x64x64xf32> to vector<1x64x64xf32>
    %squeeze3A_57 = vector.shape_cast %slice3A_56 : vector<1x64x64xf32> to vector<64x64xf32>
    %mul3A_58 = vector.broadcast %get3A_55 : f32 to vector<64x64xf32>
    %mul3A_59 = arith.mulf %mul3A_58, %squeeze3A_57 : vector<64x64xf32>
    %get3A_60 = arith.constant 2 : index
    %get3A_61 = arith.constant 1 : index
    %get3A_62 = memref.load %arg7[%get3A_60, %get3A_61] : memref<3x2xf32, #tpu.memory_space<smem>>
    %slice3A_63 = vector.extract_strided_slice %get3A_25 {offsets = [1, 0, 0], sizes = [1, 64, 64], strides = [1, 1, 1]} : vector<2x64x64xf32> to vector<1x64x64xf32>
    %squeeze3A_64 = vector.shape_cast %slice3A_63 : vector<1x64x64xf32> to vector<64x64xf32>
    %mul3A_65 = vector.broadcast %get3A_62 : f32 to vector<64x64xf32>
    %mul3A_66 = arith.mulf %mul3A_65, %squeeze3A_64 : vector<64x64xf32>
    %add3A_67 = arith.addf %mul3A_59, %mul3A_66 : vector<64x64xf32>
    %dot_general3A_68 = arith.constant dense<0.000000e+00> : vector<10000x64xf32>
    %dot_general3A_69 = tpu.matmul %add3A_8, %add3A_37, %dot_general3A_68 {dimension_numbers = #tpu.dot_dimension_numbers<[1], [0], [0], [1], [0, 0, 1, 1], [], []>, transpose_lhs_hint = false} : vector<10000x64xf32>, vector<64x64xf32>, vector<10000x64xf32> -> vector<10000x64xf32>
    %convert_element_type3A = arith.truncf %dot_general3A_69 : vector<10000x64xf32> to vector<10000x64xbf16>
    %swap3A = arith.constant 0 : index
    %swap3A_70 = arith.constant 0 : index
    %swap3A_71 = vector.load %arg8[%swap3A, %swap3A_70] : memref<30000x64xbf16, #tpu.memory_space<vmem>>, vector<10000x64xbf16>
    tpu.vector_store %arg8[%swap3A, %swap3A_70], %convert_element_type3A {strides = array<i32>} : memref<30000x64xbf16, #tpu.memory_space<vmem>>, vector<10000x64xbf16>,
    %dot_general3A_72 = arith.constant dense<0.000000e+00> : vector<10000x64xf32>
    %dot_general3A_73 = tpu.matmul %add3A_8, %add3A_52, %dot_general3A_72 {dimension_numbers = #tpu.dot_dimension_numbers<[1], [0], [0], [1], [0, 0, 1, 1], [], []>, transpose_lhs_hint = false} : vector<10000x64xf32>, vector<64x64xf32>, vector<10000x64xf32> -> vector<10000x64xf32>
    %convert_element_type3A_74 = arith.truncf %dot_general3A_73 : vector<10000x64xf32> to vector<10000x64xbf16>
    %swap3A_75 = arith.constant 10000 : index
    %swap3A_76 = arith.constant 0 : index
    %swap3A_77 = vector.load %arg8[%swap3A_75, %swap3A_76] : memref<30000x64xbf16, #tpu.memory_space<vmem>>, vector<10000x64xbf16>
    tpu.vector_store %arg8[%swap3A_75, %swap3A_76], %convert_element_type3A_74 {strides = array<i32>} : memref<30000x64xbf16, #tpu.memory_space<vmem>>, vector<10000x64xbf16>,
    %dot_general3A_78 = arith.constant dense<0.000000e+00> : vector<10000x64xf32>
    %dot_general3A_79 = tpu.matmul %add3A_21, %add3A_67, %dot_general3A_78 {dimension_numbers = #tpu.dot_dimension_numbers<[1], [0], [0], [1], [0, 0, 1, 1], [], []>, transpose_lhs_hint = false} : vector<10000x64xf32>, vector<64x64xf32>, vector<10000x64xf32> -> vector<10000x64xf32>
    %convert_element_type3A_80 = arith.truncf %dot_general3A_79 : vector<10000x64xf32> to vector<10000x64xbf16>
    %swap3A_81 = arith.constant 20000 : index
    %swap3A_82 = arith.constant 0 : index
    %swap3A_83 = vector.load %arg8[%swap3A_81, %swap3A_82] : memref<30000x64xbf16, #tpu.memory_space<vmem>>, vector<10000x64xbf16>
    tpu.vector_store %arg8[%swap3A_81, %swap3A_82], %convert_element_type3A_80 {strides = array<i32>} : memref<30000x64xbf16, #tpu.memory_space<vmem>>, vector<10000x64xbf16>,
    return
  }
}

module attributes {stable_mosaic.version = 14 : i64} {
  func.func @_final_body(%arg0: memref<2x40448x64xbf16, #tpu.memory_space<vmem>>, %arg1: memref<2x40448xf32, #tpu.memory_space<vmem>>, %arg2: memref<64xf32, #tpu.memory_space<vmem>>, %arg3: memref<20000x64xf32, #tpu.memory_space<vmem>>) attributes {dimension_semantics = [], scalar_prefetch = 0 : i64, scratch_operands = 0 : i64, tpu.core_type = #tpu.core_type<tc>} {
    %get3A = arith.constant 0 : index
    %get3A_0 = arith.constant 0 : index
    %get3A_1 = arith.constant 0 : index
    %get3A_2 = vector.load %arg0[%get3A, %get3A_0, %get3A_1] : memref<2x40448x64xbf16, #tpu.memory_space<vmem>>, vector<1x40448x64xbf16>
    %get3A_3 = vector.shape_cast %get3A_2 : vector<1x40448x64xbf16> to vector<40448x64xbf16>
    %convert_element_type3A = arith.extf %get3A_3 : vector<40448x64xbf16> to vector<40448x64xf32>
    %get3A_4 = arith.constant 1 : index
    %get3A_5 = arith.constant 0 : index
    %get3A_6 = arith.constant 0 : index
    %get3A_7 = vector.load %arg0[%get3A_4, %get3A_5, %get3A_6] : memref<2x40448x64xbf16, #tpu.memory_space<vmem>>, vector<1x40448x64xbf16>
    %get3A_8 = vector.shape_cast %get3A_7 : vector<1x40448x64xbf16> to vector<40448x64xbf16>
    %convert_element_type3A_9 = arith.extf %get3A_8 : vector<40448x64xbf16> to vector<40448x64xf32>
    %slice3A = vector.extract_strided_slice %convert_element_type3A {offsets = [0, 0], sizes = [10000, 64], strides = [1, 1]} : vector<40448x64xf32> to vector<10000x64xf32>
    %slice3A_10 = vector.extract_strided_slice %convert_element_type3A {offsets = [20224, 0], sizes = [10000, 64], strides = [1, 1]} : vector<40448x64xf32> to vector<10000x64xf32>
    %add3A = arith.addf %slice3A, %slice3A_10 : vector<10000x64xf32>
    %slice3A_11 = vector.extract_strided_slice %convert_element_type3A_9 {offsets = [0, 0], sizes = [10000, 64], strides = [1, 1]} : vector<40448x64xf32> to vector<10000x64xf32>
    %slice3A_12 = vector.extract_strided_slice %convert_element_type3A_9 {offsets = [20224, 0], sizes = [10000, 64], strides = [1, 1]} : vector<40448x64xf32> to vector<10000x64xf32>
    %add3A_13 = arith.addf %slice3A_11, %slice3A_12 : vector<10000x64xf32>
    %slice3A_14 = vector.extract_strided_slice %convert_element_type3A {offsets = [10112, 0], sizes = [10000, 64], strides = [1, 1]} : vector<40448x64xf32> to vector<10000x64xf32>
    %slice3A_15 = vector.extract_strided_slice %convert_element_type3A {offsets = [30336, 0], sizes = [10000, 64], strides = [1, 1]} : vector<40448x64xf32> to vector<10000x64xf32>
    %add3A_16 = arith.addf %slice3A_14, %slice3A_15 : vector<10000x64xf32>
    %slice3A_17 = vector.extract_strided_slice %convert_element_type3A_9 {offsets = [10112, 0], sizes = [10000, 64], strides = [1, 1]} : vector<40448x64xf32> to vector<10000x64xf32>
    %add3A_18 = arith.addf %add3A_16, %slice3A_17 : vector<10000x64xf32>
    %slice3A_19 = vector.extract_strided_slice %convert_element_type3A_9 {offsets = [30336, 0], sizes = [10000, 64], strides = [1, 1]} : vector<40448x64xf32> to vector<10000x64xf32>
    %add3A_20 = arith.addf %add3A_18, %slice3A_19 : vector<10000x64xf32>
    %get3A_21 = arith.constant 0 : index
    %get3A_22 = arith.constant 0 : index
    %get3A_23 = vector.load %arg1[%get3A_21, %get3A_22] : memref<2x40448xf32, #tpu.memory_space<vmem>>, vector<1x10000xf32>
    %get3A_24 = vector.shape_cast %get3A_23 : vector<1x10000xf32> to vector<10000xf32>
    %get3A_25 = arith.constant 0 : index
    %get3A_26 = arith.constant 20224 : index
    %get3A_27 = vector.load %arg1[%get3A_25, %get3A_26] : memref<2x40448xf32, #tpu.memory_space<vmem>>, vector<1x10000xf32>
    %get3A_28 = vector.shape_cast %get3A_27 : vector<1x10000xf32> to vector<10000xf32>
    %add3A_29 = arith.addf %get3A_24, %get3A_28 : vector<10000xf32>
    %max3A = arith.constant 1.000000e+00 : f32
    %max3A_30 = vector.broadcast %max3A : f32 to vector<10000xf32>
    %max3A_31 = arith.maximumf %add3A_29, %max3A_30 : vector<10000xf32>
    %get3A_32 = arith.constant 1 : index
    %get3A_33 = arith.constant 0 : index
    %get3A_34 = vector.load %arg1[%get3A_32, %get3A_33] : memref<2x40448xf32, #tpu.memory_space<vmem>>, vector<1x10000xf32>
    %get3A_35 = vector.shape_cast %get3A_34 : vector<1x10000xf32> to vector<10000xf32>
    %get3A_36 = arith.constant 1 : index
    %get3A_37 = arith.constant 20224 : index
    %get3A_38 = vector.load %arg1[%get3A_36, %get3A_37] : memref<2x40448xf32, #tpu.memory_space<vmem>>, vector<1x10000xf32>
    %get3A_39 = vector.shape_cast %get3A_38 : vector<1x10000xf32> to vector<10000xf32>
    %add3A_40 = arith.addf %get3A_35, %get3A_39 : vector<10000xf32>
    %max3A_41 = arith.constant 1.000000e+00 : f32
    %max3A_42 = vector.broadcast %max3A_41 : f32 to vector<10000xf32>
    %max3A_43 = arith.maximumf %add3A_40, %max3A_42 : vector<10000xf32>
    %get3A_44 = arith.constant 0 : index
    %get3A_45 = arith.constant 10112 : index
    %get3A_46 = vector.load %arg1[%get3A_44, %get3A_45] : memref<2x40448xf32, #tpu.memory_space<vmem>>, vector<1x10000xf32>
    %get3A_47 = vector.shape_cast %get3A_46 : vector<1x10000xf32> to vector<10000xf32>
    %get3A_48 = arith.constant 0 : index
    %get3A_49 = arith.constant 30336 : index
    %get3A_50 = vector.load %arg1[%get3A_48, %get3A_49] : memref<2x40448xf32, #tpu.memory_space<vmem>>, vector<1x10000xf32>
    %get3A_51 = vector.shape_cast %get3A_50 : vector<1x10000xf32> to vector<10000xf32>
    %add3A_52 = arith.addf %get3A_47, %get3A_51 : vector<10000xf32>
    %get3A_53 = arith.constant 1 : index
    %get3A_54 = arith.constant 10112 : index
    %get3A_55 = vector.load %arg1[%get3A_53, %get3A_54] : memref<2x40448xf32, #tpu.memory_space<vmem>>, vector<1x10000xf32>
    %get3A_56 = vector.shape_cast %get3A_55 : vector<1x10000xf32> to vector<10000xf32>
    %add3A_57 = arith.addf %add3A_52, %get3A_56 : vector<10000xf32>
    %get3A_58 = arith.constant 1 : index
    %get3A_59 = arith.constant 30336 : index
    %get3A_60 = vector.load %arg1[%get3A_58, %get3A_59] : memref<2x40448xf32, #tpu.memory_space<vmem>>, vector<1x10000xf32>
    %get3A_61 = vector.shape_cast %get3A_60 : vector<1x10000xf32> to vector<10000xf32>
    %add3A_62 = arith.addf %add3A_57, %get3A_61 : vector<10000xf32>
    %max3A_63 = arith.constant 1.000000e+00 : f32
    %max3A_64 = vector.broadcast %max3A_63 : f32 to vector<10000xf32>
    %max3A_65 = arith.maximumf %add3A_62, %max3A_64 : vector<10000xf32>
    %get3A_66 = arith.constant 0 : index
    %get3A_67 = vector.load %arg2[%get3A_66] : memref<64xf32, #tpu.memory_space<vmem>>, vector<64xf32>
    %broadcast_in_dim3A = vector.shape_cast %get3A_67 : vector<64xf32> to vector<1x64xf32>
    %broadcast_in_dim3A_68 = vector.shape_cast %max3A_65 : vector<10000xf32> to vector<10000x1xf32>
    %div3A = vector.broadcast %broadcast_in_dim3A_68 : vector<10000x1xf32> to vector<10000x64xf32>
    %div3A_69 = arith.divf %add3A_20, %div3A : vector<10000x64xf32>
    %broadcast_in_dim3A_70 = vector.shape_cast %max3A_43 : vector<10000xf32> to vector<10000x1xf32>
    %div3A_71 = vector.broadcast %broadcast_in_dim3A_70 : vector<10000x1xf32> to vector<10000x64xf32>
    %div3A_72 = arith.divf %add3A_13, %div3A_71 : vector<10000x64xf32>
    %add3A_73 = arith.addf %div3A_69, %div3A_72 : vector<10000x64xf32>
    %add3A_74 = vector.broadcast %broadcast_in_dim3A : vector<1x64xf32> to vector<10000x64xf32>
    %add3A_75 = arith.addf %add3A_73, %add3A_74 : vector<10000x64xf32>
    %max3A_76 = arith.constant 0.000000e+00 : f32
    %max3A_77 = vector.broadcast %max3A_76 : f32 to vector<10000x64xf32>
    %max3A_78 = arith.maximumf %add3A_75, %max3A_77 : vector<10000x64xf32>
    %swap3A = arith.constant 0 : index
    %swap3A_79 = arith.constant 0 : index
    %swap3A_80 = vector.load %arg3[%swap3A, %swap3A_79] : memref<20000x64xf32, #tpu.memory_space<vmem>>, vector<10000x64xf32>
    tpu.vector_store %arg3[%swap3A, %swap3A_79], %max3A_78 {strides = array<i32>} : memref<20000x64xf32, #tpu.memory_space<vmem>>, vector<10000x64xf32>,
    %broadcast_in_dim3A_81 = vector.shape_cast %max3A_31 : vector<10000xf32> to vector<10000x1xf32>
    %div3A_82 = vector.broadcast %broadcast_in_dim3A_81 : vector<10000x1xf32> to vector<10000x64xf32>
    %div3A_83 = arith.divf %add3A, %div3A_82 : vector<10000x64xf32>
    %add3A_84 = vector.broadcast %broadcast_in_dim3A : vector<1x64xf32> to vector<10000x64xf32>
    %add3A_85 = arith.addf %div3A_83, %add3A_84 : vector<10000x64xf32>
    %max3A_86 = arith.constant 0.000000e+00 : f32
    %max3A_87 = vector.broadcast %max3A_86 : f32 to vector<10000x64xf32>
    %max3A_88 = arith.maximumf %add3A_85, %max3A_87 : vector<10000x64xf32>
    %swap3A_89 = arith.constant 10000 : index
    %swap3A_90 = arith.constant 0 : index
    %swap3A_91 = vector.load %arg3[%swap3A_89, %swap3A_90] : memref<20000x64xf32, #tpu.memory_space<vmem>>, vector<10000x64xf32>
    tpu.vector_store %arg3[%swap3A_89, %swap3A_90], %max3A_88 {strides = array<i32>} : memref<20000x64xf32, #tpu.memory_space<vmem>>, vector<10000x64xf32>,
    return
  }
}

</mosaic_0001>

<sc_bundles>
// kernel: kernel.5.cloned.1.call-start
scs
__scs_entry_jumppad:
0x0: {  	(pc) =	sbr.rel $0x88, $3  }
0x1: {  	(tag) =	ssettag $0x0;
	lr =	simm.s32 $0x1  }
0x2: {  	[smem:$0x3F95] =	sst lr;
	_ =	strace $0xD0000000  }
0x3: {  	_ = 	snop  }
0x4: {  	_ = 	snop  }
0x5: {  	_ = 	snop  }
0x6: {  	_ = 	snop  }
0x7: {  	_ = 	snop  }
__scs_overlays_trampoline_lowered:
0x8: {  	[smem:$0x3FA4] =	sst s0  }
0x9: {  	[smem:$0x3FA5] =	sst s1  }
0xa: {  	[smem:$0x3FA6] =	sst s2  }
0xb: {  	[smem:$0x3FA7] =	sst s3  }
0xc: {  	[smem:$0x3FA8] =	sst s4  }
0xd: {  	[smem:$0x3FA9] =	sst s5  }
0xe: {  	[smem:$0x3FAA] =	sst s6  }
0xf: {  	[smem:$0x3FAB] =	sst s7  }
0x10: {  	[smem:$0x3FAC] =	sst s8  }
0x11: {  	[smem:$0x3FAD] =	sst s9;
	s0 =	simm.s32 @!p0 $0x0  }
0x12: {  	s1 =	sld [smem:$0x3F93];
	s0 =	simm.s32 @p0 $0x1  }
0x13: {  	[smem:$0x3FAE] =	sst s0;
	s0 =	simm.s32 @!p1 $0x0  }
0x14: {  	s2 =	sld [smem:$0x3F92];
	s0 =	simm.s32 @p1 $0x1  }
0x15: {  	[smem:$0x3FAF] =	sst s0;
	s0 =	simm.s32 @!p2 $0x0  }
0x16: {  	s3 =	sld [smem:$0x3FDB];
	s0 =	simm.s32 @p2 $0x1  }
0x17: {  	s4 =	simm.s32 $0x1BF5;
	[smem:$0x3FB1] =	sst s0  }
0x18: {  	s0 =	sld [smem:$0x3F94];
	_ =	swait.ge [sflag:s4], $0x0  }
0x19: {  	s7 =	sld [smem:$0x3F95]  }
0x1a: {  	s8 =	sadd.s32 $0xFFFFE003, lr  }
0x1b: {  	s9 =	sadd.s32 $0xFFFFFEF7, lr;
	s5 =	simm.s32 $0xFFFFFFFF;
	p2 =	slt.u32 s8, $0xFFFFF086  }
0x1c: {  	p1 =	slt.u32 s9, $0xF7A;
	s5 =	simm.s32 @!p2 $0x0  }
0x1d: {  	s5 =	simm.s32 @p1 $0x1;
	p0 =	seq.s32 s7, s2  }
0x1e: {  	s7 =	smul.u32 @!p0 $0xF7A, s2;
	p2 =	seq.s32 @!p0 s5, $0x0  }
0x1f: {  	s9 =	smul.u32 $0xF7A, s1;
	s8 =	simm.s32 @!p0 $0x1BF5;
	p2 =	por !p2, p0  }
0x20: {  	[sflag:s8] =	ssyncset.s32 @!p0 $0xFFFFF086;
	s6 =	sadd.s32 @!p0 s3, s7;
	s7 =	simm.s32 @!p0 $0x108  }
0x21: {  	s3 =	sadd.s32 s3, s9;
	s6 =	sadd.s32 @!p0 $0x88, s6;
	s7 =	simm.s32 @p2 $0x1082  }
0x22: {  	[simem:s7], [sflag:s8] =	dma.local @!p0 [hbm:s6], $0xF7A  }
0x23: {  	s9 =	sor.u32 $0xD0000000, s2;
	s6 =	simm.s32 $0x108;
	_ =	swait.ge @!p0 [sflag:s8], $0x0  }
0x24: {  	s3 =	sadd.s32 $0x88, s3;
	s6 =	simm.s32 @!p1 $0x1082;
	[sflag:s4] =	ssyncset.s32 $0xFFFFF086  }
0x25: {  	[simem:s6], [sflag:s4] =	dma.local [hbm:s3], $0xF7A  }
0x26: {  	[smem:$0x3F95] =	sst s1;
	(tag) =	ssettag s2;
	_ =	strace s9  }
0x27: {  	s1 =	sld [smem:$0x3FA5]  }
0x28: {  	s2 =	sld [smem:$0x3FA6]  }
0x29: {  	s4 =	sld [smem:$0x3FA8]  }
0x2a: {  	p0 =	seq.s32 s5, $0x0;
	s5 =	sld [smem:$0x3FA9]  }
0x2b: {  	s6 =	sld [smem:$0x3FAA]  }
0x2c: {  	s7 =	sld [smem:$0x3FAB]  }
0x2d: {  	s3 =	simm.s32 $0x108;
	s8 =	sld [smem:$0x3FAC]  }
0x2e: {  	s3 =	simm.s32 @!p0 $0x1082;
	s9 =	sld [smem:$0x3FAD]  }
0x2f: {  	lr =	sadd.s32 s0, s3;
	s0 =	sld [smem:$0x3FA4]  }
0x30: {  	s3 =	sld [smem:$0x3FA7]  }
0x31: {  	[smem:$0x3FB0] =	sst s10  }
0x32: {  	s10 =	sld [smem:$0x3FAE];
	_ =	sdelay $0x3  }
0x33: {  	p0 =	seq.s32 s10, $0x1;
	s10 =	sld [smem:$0x3FB0];
	_ =	sdelay $0x3  }
0x34: {  	[smem:$0x3FB0] =	sst s10  }
0x35: {  	s10 =	sld [smem:$0x3FAF];
	_ =	sdelay $0x3  }
0x36: {  	p1 =	seq.s32 s10, $0x1;
	s10 =	sld [smem:$0x3FB0];
	_ =	sdelay $0x3  }
0x37: {  	[smem:$0x3FB0] =	sst s10  }
0x38: {  	s10 =	sld [smem:$0x3FB1]  }
0x39: {  	_ = 	snop;
	(pc) =	sbr.ind lr, $3  }
0x3a: {  	_ = 	snop  }
0x3b: {  	_ = 	snop  }
0x3c: {  	p2 =	seq.s32 s10, $0x1;
	s10 =	sld [smem:$0x3FB0]  }
0x3d: {  	_ =	shalt  }
0x3e: {  	_ =	shalt  }
0x3f: {  	_ =	shalt  }
0x40: {  	_ =	shalt  }
0x41: {  	_ =	shalt  }
0x42: {  	_ =	shalt  }
0x43: {  	_ =	shalt  }
0x44: {  	_ =	shalt  }
0x45: {  	_ =	shalt  }
0x46: {  	_ =	shalt  }
0x47: {  	_ =	shalt  }
0x48: {  	_ =	shalt  }
0x49: {  	_ =	shalt  }
0x4a: {  	_ =	shalt  }
0x4b: {  	_ =	shalt  }
0x4c: {  	_ =	shalt  }
0x4d: {  	_ =	shalt  }
0x4e: {  	_ =	shalt  }
0x4f: {  	_ =	shalt  }
0x50: {  	_ =	shalt  }
0x51: {  	_ =	shalt  }
0x52: {  	_ =	shalt  }
0x53: {  	_ =	shalt  }
0x54: {  	_ =	shalt  }
0x55: {  	_ =	shalt  }
0x56: {  	_ =	shalt  }
0x57: {  	_ =	shalt  }
0x58: {  	_ =	shalt  }
0x59: {  	_ =	shalt  }
0x5a: {  	_ =	shalt  }
0x5b: {  	_ =	shalt  }
0x5c: {  	_ =	shalt  }
0x5d: {  	_ =	shalt  }
0x5e: {  	_ =	shalt  }
0x5f: {  	_ =	shalt  }
0x60: {  	_ =	shalt  }
0x61: {  	_ =	shalt  }
0x62: {  	_ =	shalt  }
0x63: {  	_ =	shalt  }
0x64: {  	_ =	shalt  }
0x65: {  	_ =	shalt  }
0x66: {  	_ =	shalt  }
0x67: {  	_ =	shalt  }
0x68: {  	_ =	shalt  }
0x69: {  	_ =	shalt  }
0x6a: {  	_ =	shalt  }
0x6b: {  	_ =	shalt  }
0x6c: {  	_ =	shalt  }
0x6d: {  	_ =	shalt  }
0x6e: {  	_ =	shalt  }
0x6f: {  	_ =	shalt  }
0x70: {  	_ =	shalt  }
0x71: {  	_ =	shalt  }
0x72: {  	_ =	shalt  }
0x73: {  	_ =	shalt  }
0x74: {  	_ =	shalt  }
0x75: {  	_ =	shalt  }
0x76: {  	_ =	shalt  }
0x77: {  	_ =	shalt  }
0x78: {  	_ =	shalt  }
0x79: {  	_ =	shalt  }
0x7a: {  	_ =	shalt  }
0x7b: {  	_ =	shalt  }
0x7c: {  	_ =	shalt  }
0x7d: {  	_ =	shalt  }
0x7e: {  	_ =	shalt  }
0x7f: {  	_ =	shalt  }
0x80: {  	_ =	shalt  }
0x81: {  	_ =	shalt  }
0x82: {  	_ =	shalt  }
0x83: {  	_ =	shalt  }
0x84: {  	_ =	shalt  }
0x85: {  	_ =	shalt  }
0x86: {  	_ =	shalt  }
0x87: {  	_ =	shalt  }
.Lfunc_end0:
.L_simem_size_0:
called_computation_lowered:
.L_overlay_start_0:
0x88: {  	s2 =	sld [smem:$0x3FD9]  }
0x89: {  	s3 =	sld [smem:$0x3FFE];
	_ =	sdelay $0x1  }
0x8a: {  	s1 =	srdreg.scid  }
0x8b: {  	s0 =	sand.u32 $0x1, s1  }
0x8c: {  	s17 =	sshll.u32 s0, $0xA;
	s2 =	sadd.s32 s3, s2  }
0x8d: {  	s2 =	sadd.s32 s2, s17  }
0x8e: {  	[smem:$0x3FBC] =	sst s2  }
0x8f: {  	_ = 	snop  }
0x90: {  	s2 =	sld [smem:$0x3FD0];
	(tm) =	ssettm $0x1  }
0x91: {  	s18 =	sld [smem:$0x3FFB];
	_ =	sdelay $0x3  }
0x92: {  	_ =	strace s18  }
0x93: {  	s3 =	sld [smem:$0x3FFC];
	_ =	sdelay $0x3  }
0x94: {  	_ =	strace s3  }
0x95: {  	s3 =	sld [smem:$0x3FFD];
	_ =	sdelay $0x3  }
0x96: {  	_ =	strace s3  }
0x97: {  	_ =	strace $0x8FFFFFFF  }
0x98: {  	s19 =	sld [smem:$0x3FDB];
	_ =	sdelay $0x1  }
0x99: {  	s4 =	simm.s32 $_scs_section_size  }
0x9a: {  	s5 =	simm.s32 $_size__tile_overlayer_lowered;
	s6 =	simm.s32 $_tile_overlayer_lowered  }
0x9b: {  	s22 =	simm.s32 $0x1BFF;
	s21 =	sshll.u32 s6, $0x1;
	s3 =	sadd.s32 s4, s19  }
0x9c: {  	s7 =	simm.s32 $0x0;
	s20 =	sshll.u32 s5, $0x1;
	s5 =	sadd.s32 s21, s3  }
0x9d: {  	[timem:s7], [sflag:s22] =	dma.local [hbm:s5], s20  }
0x9e: {  	_ =	swait.ge [sflag:s22], s20  }
0x9f: {  	s4 =	ssub.s32 $0x0, s20;
	[sflag:s22] =	ssyncset.done $0x0  }
0xa0: {  	[sflag:s22] =	ssyncadd.s32 s4;
	_ =	sdelay $0x1  }
0xa1: {  	s23 =	simm.s32 $0x1B8B  }
0xa2: {  	_ =	swait.ge [sflag:s23], $0x1  }
0xa3: {  	[sflag:s23] =	ssyncset.done $0x0  }
0xa4: {  	s25 =	simm.s32 $0x1B8E;
	s24 =	sld [smem:$0x3FFE];
	[sflag:s23] =	ssyncadd.s32 $0xFFFFFFFF  }
0xa5: {  	s26 =	simm.s32 $execute0_lowered;
	[smem:$0x3FD2] =	sst s25  }
0xa6: {  	s5 =	sshll.u32 s26, $0x1;
	_ =	strace $0x80000046;
	[dreg:$0x1] =	wrdreg $0xFFFFFFFF  }
0xa7: {  	s28 =	simm.s32 $_size_execute0_lowered;
	s3 =	sadd.s32 s3, s5;
	[dreg:$0x0] =	wrdreg $0x0  }
0xa8: {  	s5 =	sshll.u32 s28, $0x1;
	[dreg:$0x2] =	wrdreg s3  }
0xa9: {  	[dreg:$0x3] =	wrdreg s5  }
0xaa: {  	[dreg:$0x4] =	wrdreg $0xC0  }
0xab: {  	_ =	task [dreg:s7], $0x5FFFF  }
0xac: {  	[dreg:$0x1] =	wrdreg $0xFFFFFFFF  }
0xad: {  	[dreg:$0x0] =	wrdreg $0x60  }
0xae: {  	[dreg:$0x2] =	wrdreg s24  }
0xaf: {  	[dreg:$0x3] =	wrdreg s2  }
0xb0: {  	[dreg:$0x4] =	wrdreg $0x0  }
0xb1: {  	[dreg:$0x5] =	wrdreg $0x13C000  }
0xb2: {  	[dreg:$0x6] =	wrdreg $0x9  }
0xb3: {  	_ =	task.clear_ibuf [dreg:s7], $0x7FFFF;
	_ =	strace $0x90000046  }
0xb4: {  	s29 =	simm.s32 $0x9;
	_ =	strace $0x80000048  }
0xb5: {  	_ =	swait.ge [sflag:s29], $0x1  }
0xb6: {  	[sflag:s29] =	ssyncadd.s32 $0xFFFFFFFF  }
0xb7: {  	_ =	strace $0x90000048  }
0xb8: {  	_ =	sfence  }
0xb9: {  	s30 =	sld [smem:$0x0];
	_ =	sdelay $0x2  }
0xba: {  	s31 =	sshll.u32 s1, $0xD;
	s1 =	sshrl.u32 s1, $0x2  }
0xbb: {  	s3 =	sand.u32 $0x4000, s31;
	s1 =	sadd.s32 s1, s30  }
0xbc: {  	s0 =	sor.u32 s3, s0;
	s1 =	sshll.u32 s1, $0x11  }
0xbd: {  	s0 =	sor.u32 s1, s0  }
0xbe: {  	s0 =	sadd.s32 $0x8F2B, s0  }
0xbf: {  	[sflag:s0] =	ssyncadd.remote.s32 $0x1  }
0xc0: {  	_ =	sfence.sel $0xFFFF  }
0xc1: {  	[dreg:$0x0] =	wrdreg $0xFFFFFFFF;
	(pc) =	sbr.abs _section_cstart, $3  }
0xc2: {  	[dreg:$0x1] =	wrdreg $0xFFFFFFFF  }
0xc3: {  	_ =	task.clear_ibuf [dreg:s7], $0x2FFFF;
	_ =	strace $0x9FFFFFFF  }
0xc4: {  	(tm) =	ssettm $0x7FFFFFFF  }
0xc5: {  	_ =	shalt  }
tec
execute0_lowered:
.L_overlay_start_1:
0x0: {  	(tag) =	ssettag $0x1  }
0x1: {  	s0 =	rddreg [dreg:$0x0]  }
0x2: {  	s3 =	rddreg [dreg:$0x2];
	s1 =	srdreg.scid  }
0x3: {  	s10 =	stileid.u32;
	s4 =	rddreg [dreg:$0x3];
	s6 =	simm.s32 $0x0  }
0x4: {  	s28 =	simm.s32 $0x1A1E0;
	s29 =	simm.s32 $0x1B1E0;
	s30 =	simm.s32 $0x1C1E0  }
0x5: {  	s31 =	simm.s32 $0x1D1E0;
	s14 =	simm.s32 $0x7;
	s15 =	simm.s32 $0xD  }
0x6: {  	s16 =	simm.s32 $0x8;
	s17 =	simm.s32 $0x9;
	s11 =	simm.s32 $0xB  }
0x7: {  	s1 =	sand.u32 $0x1, s1;
	s2 =	smul.u32 $0x27800, s10;
	[smem:$0x7FF] =	sst s6  }
0x8: {  	s7 =	smul.u32 $0x9E0, s10;
	s6 =	sadd.s32 $0x4000, s0;
	s9 =	sadd.s32 $0x21600, s0  }
0x9: {  	s18 =	sadd.s32 $0x1800, s0;
	s19 =	sadd.s32 $0x3F800, s0;
	s20 =	sadd.s32 $0x3F600, s0  }
0xa: {  	s24 =	smul.u32 $0xF0, s10;
	_ =	strace $0x80000047;
	[dreg:$0x5] =	wrdreg s9  }
0xb: {  	s23 =	sshll.u32 s10, $0x6;
	s5 =	smul.u32 $0x278000, s1;
	[dreg:$0x6] =	wrdreg s18  }
0xc: {  	s10 =	simm.s32 $0x6;
	s8 =	smul.u32 $0x9E00, s1;
	[dreg:$0x7] =	wrdreg s19  }
0xd: {  	[dreg:$0x8] =	wrdreg s20;
	s21 =	ssub.s32 $0x2, s1;
	s12 =	sor.u32 $0x1C0F, s23  }
0xe: {  	s1 =	smul.u32 $0x78000, s1;
	s20 =	simm.s32 $0x1E1E0;
	s23 =	simm.s32 $0xE  }
0xf: {  	s9 =	simm.s32 $0x5;
	s19 =	simm.s32 $0xA;
	s18 =	simm.s32 $0xC  }
0x10: {  	s22 =	sshrl.u32 s21, $0x1;
	[dreg:$0xa] =	wrdreg s24;
	s24 =	simm.s32 $0x80  }
0x11: {  	[dreg:$0x9] =	wrdreg s12;
	s5 =	sadd.s32 s2, s5;
	s8 =	sadd.s32 s7, s8  }
0x12: {  	s2 =	sshrl.u32 s2, $0x1;
	s7 =	sadd.s32 s7, s4;
	[dreg:$0xb] =	wrdreg s1  }
0x13: {  	s5 =	sshrl.u32 s5, $0x4;
	s8 =	sshrl.u32 s8, $0x3;
	s2 =	sadd.s32 s2, s3  }
0x14: {  	s7 =	sshrl.u32 s7, $0x3;
	s5 =	sadd.s32 s5, s0;
	s0 =	sadd.s32 s8, s0  }
0x15: {  	s8 =	ssub.s32 s21, s22;
	s13 =	sshrl.u32 s2, $0x3;
	[dreg:$0x10] =	wrdreg s7  }
0x16: {  	s21 =	simm.s32 $0xF;
	s25 =	sadd.s32 $0x3FA00, s5;
	[dreg:$0xf] =	wrdreg s13  }
0x17: {  	s2 =	simm.s32 $0x1;
	s0 =	sadd.s32 $0x8EA00, s0;
	[dreg:$0xc] =	wrdreg s25  }
0x18: {  	s22 =	simm.s32 $0x0;
	s26 =	smax.u32 s8, $0x1;
	[dreg:$0xd] =	wrdreg s0  }
0x19: {  	s5 =	simm.s32 $0x3;
	s8 =	simm.s32 $0x4;
	[dreg:$0xe] =	wrdreg s26  }
0x1a: {  	s25 =	simm.s32 $0x181E0;
	s26 =	simm.s32 $0x191E0;
	s0 =	simm.s32 $0x2  }
.LBB2_1:
0x1b: {  	[dreg:$0x11] =	wrdreg s22  }
0x1c: {  	s1 =	rddreg [dreg:$0x6]  }
0x1d: {  	[spmem:s13], [sflag:s12] =	dma.local [hbm:s1], $0x2780  }
0x1e: {  	_ =	swait.ge [sflag:s21], $0x2780  }
0x1f: {  	[sflag:s21] =	ssyncset.done $0x0  }
0x20: {  	s22 =	rddreg [dreg:$0x7];
	[sflag:s21] =	ssyncadd.s32 $0xFFFFD880  }
0x21: {  	[spmem:s7], [sflag:s12] =	dma.local [hbm:s22], $0x13C  }
0x22: {  	_ =	swait.ge [sflag:s21], $0x13C  }
0x23: {  	[sflag:s21] =	ssyncset.done $0x0  }
0x24: {  	s13 =	simm.s32 $0x0;
	s22 =	rddreg [dreg:$0x8];
	[sflag:s21] =	ssyncadd.s32 $0xFFFFFEC4  }
0x25: {  	[tilespmem:s20], [sflag:$0xF] =	stream.linear.gather [hbm4b:s22+s13], $0x80, $0x38;
	[tilespmem:$0x1E260] =	vst v63  }
0x26: {  	_ =	swait.ge [sflag:s21], $0x80  }
0x27: {  	[sflag:s21] =	ssyncset.done $0x0  }
0x28: {  	[sflag:s21] =	ssyncadd.s32 $0xFFFFFF80  }
0x29: {  	s1 =	simm.s32 $0x0;
	[bflag:$0x0] =	sbarrier.arrive $0xFFFF  }
.LBB2_2:
0x2a: {  	s7 =	smul.u32 $0x3C, s1  }
0x2b: {  	s12 =	rddreg [dreg:$0xa]  }
0x2c: {  	s7 =	sadd.s32 s12, s7  }
0x2d: {  	s21 =	rddreg [dreg:$0xb];
	s7 =	sshll.u32 s7, $0x7  }
0x2e: {  	s7 =	sadd.s32 s21, s7  }
0x2f: {  	s22 =	rddreg [dreg:$0x1];
	s7 =	sshrl.u32 s7, $0x3  }
0x30: {  	s13 =	simm.s32 $0x145E0;
	s21 =	simm.s32 $0x0;
	s12 =	sadd.s32 s22, s7  }
0x31: {  	[tilespmem:s13], [sflag:$0xE] =	stream.linear.gather [hbm4b:s12+s21], $0x1E00, $0x38;
	[tilespmem:$0x1E260] =	vst v63  }
0x32: {  	s13 =	rddreg [dreg:$0x5]  }
0x33: {  	s22 =	simm.s32 $0x163E0;
	s7 =	sadd.s32 s13, s7  }
0x34: {  	[tilespmem:s22], [sflag:$0xE] =	stream.linear.gather [hbm4b:s7+s21], $0x1E00, $0x38;
	[tilespmem:$0x1E260] =	vst v63  }
0x35: {  	_ =	swait.ge [sflag:s23], $0x1E00  }
0x36: {  	[sflag:s23] =	ssyncset.done $0x0  }
0x37: {  	[sflag:s23] =	ssyncadd.s32 $0xFFFFE200  }
0x38: {  	_ =	swait.ge [sflag:s23], $0x1E00  }
0x39: {  	[sflag:s23] =	ssyncset.done $0x0  }
0x3a: {  	s12 =	simm.s32 $0x145E0;
	[sflag:s23] =	ssyncadd.s32 $0xFFFFE200  }
0x3b: {  	[tilespmem:s25], [sflag:$0x1] =	stream.indirect.gather [hbm4b:s6+s24], $0x20, s12, s24, $0xb8;
	[tilespmem:$0x1E260] =	vst v63  }
0x3c: {  	s13 =	simm.s32 $0x14660  }
0x3d: {  	[tilespmem:s26], [sflag:$0x2] =	stream.indirect.gather [hbm4b:s6+s24], $0x20, s13, s24, $0xb8;
	[tilespmem:$0x1E260] =	vst v63  }
0x3e: {  	s21 =	simm.s32 $0x146E0  }
0x3f: {  	[tilespmem:s28], [sflag:$0x3] =	stream.indirect.gather [hbm4b:s6+s24], $0x20, s21, s24, $0xb8;
	[tilespmem:$0x1E260] =	vst v63  }
0x40: {  	s22 =	simm.s32 $0x14760  }
0x41: {  	[tilespmem:s29], [sflag:$0x4] =	stream.indirect.gather [hbm4b:s6+s24], $0x20, s22, s24, $0xb8;
	[tilespmem:$0x1E260] =	vst v63  }
0x42: {  	s12 =	simm.s32 $0x147E0  }
0x43: {  	[tilespmem:s30], [sflag:$0x5] =	stream.indirect.gather [hbm4b:s6+s24], $0x20, s12, s24, $0xb8;
	[tilespmem:$0x1E260] =	vst v63  }
0x44: {  	s13 =	simm.s32 $0x14860  }
0x45: {  	[tilespmem:s31], [sflag:$0x6] =	stream.indirect.gather [hbm4b:s6+s24], $0x20, s13, s24, $0xb8;
	[tilespmem:$0x1E260] =	vst v63  }
0x46: {  	_ =	swait.ge [sflag:s2], $0x1000  }
0x47: {  	[sflag:s2] =	ssyncset.done $0x0  }
0x48: {  	s21 =	simm.s32 $0x163E0;
	[sflag:s2] =	ssyncadd.s32 $0xFFFFF000  }
0x49: {  	[spmem:s3] =	stream.indirect.scatter.add.bf16 [tilespmem:s25], [sflag:$0x7], $0x20, s21, s24, $0xb8;
	[tilespmem:$0x1E260] =	vst v63  }
0x4a: {  	_ = 	snop  }
0x4b: {  	[spmem:s4] =	stream.indirect.scatter.add.f32 [tilespmem:s20], [sflag:$0xD], $0x1, s21, s24, $0xb8;
	[tilespmem:$0x1E260] =	vst v63  }
0x4c: {  	_ =	swait.ge [sflag:s0], $0x1000  }
0x4d: {  	[sflag:s0] =	ssyncset.done $0x0  }
0x4e: {  	s22 =	simm.s32 $0x16460;
	[sflag:s0] =	ssyncadd.s32 $0xFFFFF000  }
0x4f: {  	[spmem:s3] =	stream.indirect.scatter.add.bf16 [tilespmem:s26], [sflag:$0x8], $0x20, s22, s24, $0xb8;
	[tilespmem:$0x1E260] =	vst v63  }
0x50: {  	_ = 	snop  }
0x51: {  	[spmem:s4] =	stream.indirect.scatter.add.f32 [tilespmem:s20], [sflag:$0xD], $0x1, s22, s24, $0xb8;
	[tilespmem:$0x1E260] =	vst v63  }
0x52: {  	_ =	swait.ge [sflag:s5], $0x1000  }
0x53: {  	[sflag:s5] =	ssyncset.done $0x0  }
0x54: {  	s12 =	simm.s32 $0x164E0;
	[sflag:s5] =	ssyncadd.s32 $0xFFFFF000  }
0x55: {  	[spmem:s3] =	stream.indirect.scatter.add.bf16 [tilespmem:s28], [sflag:$0x9], $0x20, s12, s24, $0xb8;
	[tilespmem:$0x1E260] =	vst v63  }
0x56: {  	_ = 	snop  }
0x57: {  	[spmem:s4] =	stream.indirect.scatter.add.f32 [tilespmem:s20], [sflag:$0xD], $0x1, s12, s24, $0xb8;
	[tilespmem:$0x1E260] =	vst v63  }
0x58: {  	_ =	swait.ge [sflag:s8], $0x1000  }
0x59: {  	[sflag:s8] =	ssyncset.done $0x0  }
0x5a: {  	s13 =	simm.s32 $0x16560;
	[sflag:s8] =	ssyncadd.s32 $0xFFFFF000  }
0x5b: {  	[spmem:s3] =	stream.indirect.scatter.add.bf16 [tilespmem:s29], [sflag:$0xA], $0x20, s13, s24, $0xb8;
	[tilespmem:$0x1E260] =	vst v63  }
0x5c: {  	_ = 	snop  }
0x5d: {  	[spmem:s4] =	stream.indirect.scatter.add.f32 [tilespmem:s20], [sflag:$0xD], $0x1, s13, s24, $0xb8;
	[tilespmem:$0x1E260] =	vst v63  }
0x5e: {  	_ =	swait.ge [sflag:s9], $0x1000  }
0x5f: {  	[sflag:s9] =	ssyncset.done $0x0  }
0x60: {  	s21 =	simm.s32 $0x165E0;
	[sflag:s9] =	ssyncadd.s32 $0xFFFFF000  }
0x61: {  	[spmem:s3] =	stream.indirect.scatter.add.bf16 [tilespmem:s30], [sflag:$0xB], $0x20, s21, s24, $0xb8;
	[tilespmem:$0x1E260] =	vst v63  }
0x62: {  	_ = 	snop  }
0x63: {  	[spmem:s4] =	stream.indirect.scatter.add.f32 [tilespmem:s20], [sflag:$0xD], $0x1, s21, s24, $0xb8;
	[tilespmem:$0x1E260] =	vst v63  }
0x64: {  	_ =	swait.ge [sflag:s10], $0x1000  }
0x65: {  	[sflag:s10] =	ssyncset.done $0x0  }
0x66: {  	s22 =	simm.s32 $0x16660;
	[sflag:s10] =	ssyncadd.s32 $0xFFFFF000  }
0x67: {  	[spmem:s3] =	stream.indirect.scatter.add.bf16 [tilespmem:s31], [sflag:$0xC], $0x20, s22, s24, $0xb8;
	[tilespmem:$0x1E260] =	vst v63  }
0x68: {  	_ = 	snop  }
0x69: {  	[spmem:s4] =	stream.indirect.scatter.add.f32 [tilespmem:s20], [sflag:$0xD], $0x1, s22, s24, $0xb8;
	[tilespmem:$0x1E260] =	vst v63  }
0x6a: {  	_ =	swait.ge [sflag:s14], $0x1000  }
0x6b: {  	[sflag:s14] =	ssyncset.done $0x0  }
0x6c: {  	[sflag:s14] =	ssyncadd.s32 $0xFFFFF000  }
0x6d: {  	_ =	swait.ge [sflag:s15], $0x80  }
0x6e: {  	[sflag:s15] =	ssyncset.done $0x0  }
0x6f: {  	[sflag:s15] =	ssyncadd.s32 $0xFFFFFF80  }
0x70: {  	_ =	swait.ge [sflag:s16], $0x1000  }
0x71: {  	[sflag:s16] =	ssyncset.done $0x0  }
0x72: {  	[sflag:s16] =	ssyncadd.s32 $0xFFFFF000  }
0x73: {  	_ =	swait.ge [sflag:s15], $0x80  }
0x74: {  	[sflag:s15] =	ssyncset.done $0x0  }
0x75: {  	[sflag:s15] =	ssyncadd.s32 $0xFFFFFF80  }
0x76: {  	_ =	swait.ge [sflag:s17], $0x1000  }
0x77: {  	[sflag:s17] =	ssyncset.done $0x0  }
0x78: {  	[sflag:s17] =	ssyncadd.s32 $0xFFFFF000  }
0x79: {  	_ =	swait.ge [sflag:s15], $0x80  }
0x7a: {  	[sflag:s15] =	ssyncset.done $0x0  }
0x7b: {  	[sflag:s15] =	ssyncadd.s32 $0xFFFFFF80  }
0x7c: {  	_ =	swait.ge [sflag:s19], $0x1000  }
0x7d: {  	[sflag:s19] =	ssyncset.done $0x0  }
0x7e: {  	[sflag:s19] =	ssyncadd.s32 $0xFFFFF000  }
0x7f: {  	_ =	swait.ge [sflag:s15], $0x80  }
0x80: {  	[sflag:s15] =	ssyncset.done $0x0  }
0x81: {  	[sflag:s15] =	ssyncadd.s32 $0xFFFFFF80  }
0x82: {  	_ =	swait.ge [sflag:s11], $0x1000  }
0x83: {  	[sflag:s11] =	ssyncset.done $0x0  }
0x84: {  	[sflag:s11] =	ssyncadd.s32 $0xFFFFF000  }
0x85: {  	_ =	swait.ge [sflag:s15], $0x80  }
0x86: {  	[sflag:s15] =	ssyncset.done $0x0  }
0x87: {  	[sflag:s15] =	ssyncadd.s32 $0xFFFFFF80  }
0x88: {  	_ =	swait.ge [sflag:s18], $0x1000  }
0x89: {  	[sflag:s18] =	ssyncset.done $0x0  }
0x8a: {  	[sflag:s18] =	ssyncadd.s32 $0xFFFFF000  }
0x8b: {  	_ =	swait.ge [sflag:s15], $0x80  }
0x8c: {  	s7 =	simm.s32 $0x300;
	s21 =	simm.s32 $0x1800;
	[sflag:s15] =	ssyncset.done $0x0  }
.LBB2_3:
0x8d: {  	s13 =	sadd.s32 $0x145E0, s7  }
0x8e: {  	[sflag:s15] =	ssyncadd.s32 $0xFFFFFF80;
	s22 =	smov.u32 s21;
	s12 =	sadd.s32 $0xC00, s21  }
0x8f: {  	[tilespmem:s25], [sflag:$0x1] =	stream.indirect.gather [hbm4b:s6+s24], $0x20, s13, s24, $0xb8;
	[tilespmem:$0x1E260] =	vst v63  }
0x90: {  	p0 =	sne.s32 s21, $0x6C00;
	s13 =	sadd.s32 $0x14660, s7  }
0x91: {  	[tilespmem:s26], [sflag:$0x2] =	stream.indirect.gather [hbm4b:s6+s24], $0x20, s13, s24, $0xb8;
	[tilespmem:$0x1E260] =	vst v63  }
0x92: {  	s13 =	sadd.s32 $0x146E0, s7  }
0x93: {  	[tilespmem:s28], [sflag:$0x3] =	stream.indirect.gather [hbm4b:s6+s24], $0x20, s13, s24, $0xb8;
	[tilespmem:$0x1E260] =	vst v63  }
0x94: {  	s13 =	sadd.s32 $0x14760, s7  }
0x95: {  	[tilespmem:s29], [sflag:$0x4] =	stream.indirect.gather [hbm4b:s6+s24], $0x20, s13, s24, $0xb8;
	[tilespmem:$0x1E260] =	vst v63  }
0x96: {  	s13 =	sadd.s32 $0x147E0, s7  }
0x97: {  	[tilespmem:s30], [sflag:$0x5] =	stream.indirect.gather [hbm4b:s6+s24], $0x20, s13, s24, $0xb8;
	[tilespmem:$0x1E260] =	vst v63  }
0x98: {  	s13 =	sadd.s32 $0x14860, s7  }
0x99: {  	[tilespmem:s31], [sflag:$0x6] =	stream.indirect.gather [hbm4b:s6+s24], $0x20, s13, s24, $0xb8;
	[tilespmem:$0x1E260] =	vst v63  }
0x9a: {  	_ =	swait.ge [sflag:s2], $0x1000  }
0x9b: {  	[sflag:s2] =	ssyncset.done $0x0  }
0x9c: {  	s13 =	sadd.s32 $0x163E0, s7;
	[sflag:s2] =	ssyncadd.s32 $0xFFFFF000  }
0x9d: {  	[spmem:s3] =	stream.indirect.scatter.add.bf16 [tilespmem:s25], [sflag:$0x7], $0x20, s13, s24, $0xb8;
	[tilespmem:$0x1E260] =	vst v63  }
0x9e: {  	_ = 	snop  }
0x9f: {  	[spmem:s4] =	stream.indirect.scatter.add.f32 [tilespmem:s20], [sflag:$0xD], $0x1, s13, s24, $0xb8;
	[tilespmem:$0x1E260] =	vst v63  }
0xa0: {  	_ =	swait.ge [sflag:s0], $0x1000  }
0xa1: {  	[sflag:s0] =	ssyncset.done $0x0  }
0xa2: {  	s13 =	sadd.s32 $0x16460, s7;
	[sflag:s0] =	ssyncadd.s32 $0xFFFFF000  }
0xa3: {  	[spmem:s3] =	stream.indirect.scatter.add.bf16 [tilespmem:s26], [sflag:$0x8], $0x20, s13, s24, $0xb8;
	[tilespmem:$0x1E260] =	vst v63  }
0xa4: {  	_ = 	snop  }
0xa5: {  	[spmem:s4] =	stream.indirect.scatter.add.f32 [tilespmem:s20], [sflag:$0xD], $0x1, s13, s24, $0xb8;
	[tilespmem:$0x1E260] =	vst v63  }
0xa6: {  	_ =	swait.ge [sflag:s5], $0x1000  }
0xa7: {  	[sflag:s5] =	ssyncset.done $0x0  }
0xa8: {  	s13 =	sadd.s32 $0x164E0, s7;
	[sflag:s5] =	ssyncadd.s32 $0xFFFFF000  }
0xa9: {  	[spmem:s3] =	stream.indirect.scatter.add.bf16 [tilespmem:s28], [sflag:$0x9], $0x20, s13, s24, $0xb8;
	[tilespmem:$0x1E260] =	vst v63  }
0xaa: {  	_ = 	snop  }
0xab: {  	[spmem:s4] =	stream.indirect.scatter.add.f32 [tilespmem:s20], [sflag:$0xD], $0x1, s13, s24, $0xb8;
	[tilespmem:$0x1E260] =	vst v63  }
0xac: {  	_ =	swait.ge [sflag:s8], $0x1000  }
0xad: {  	[sflag:s8] =	ssyncset.done $0x0  }
0xae: {  	s13 =	sadd.s32 $0x16560, s7;
	[sflag:s8] =	ssyncadd.s32 $0xFFFFF000  }
0xaf: {  	[spmem:s3] =	stream.indirect.scatter.add.bf16 [tilespmem:s29], [sflag:$0xA], $0x20, s13, s24, $0xb8;
	[tilespmem:$0x1E260] =	vst v63  }
0xb0: {  	_ = 	snop  }
0xb1: {  	[spmem:s4] =	stream.indirect.scatter.add.f32 [tilespmem:s20], [sflag:$0xD], $0x1, s13, s24, $0xb8;
	[tilespmem:$0x1E260] =	vst v63  }
0xb2: {  	_ =	swait.ge [sflag:s9], $0x1000  }
0xb3: {  	[sflag:s9] =	ssyncset.done $0x0  }
0xb4: {  	s13 =	sadd.s32 $0x165E0, s7;
	[sflag:s9] =	ssyncadd.s32 $0xFFFFF000  }
0xb5: {  	[spmem:s3] =	stream.indirect.scatter.add.bf16 [tilespmem:s30], [sflag:$0xB], $0x20, s13, s24, $0xb8;
	[tilespmem:$0x1E260] =	vst v63  }
0xb6: {  	_ = 	snop  }
0xb7: {  	[spmem:s4] =	stream.indirect.scatter.add.f32 [tilespmem:s20], [sflag:$0xD], $0x1, s13, s24, $0xb8;
	[tilespmem:$0x1E260] =	vst v63  }
0xb8: {  	_ =	swait.ge [sflag:s10], $0x1000  }
0xb9: {  	[sflag:s10] =	ssyncset.done $0x0  }
0xba: {  	s7 =	sadd.s32 $0x16660, s7;
	[sflag:s10] =	ssyncadd.s32 $0xFFFFF000  }
0xbb: {  	[spmem:s3] =	stream.indirect.scatter.add.bf16 [tilespmem:s31], [sflag:$0xC], $0x20, s7, s24, $0xb8;
	[tilespmem:$0x1E260] =	vst v63  }
0xbc: {  	_ = 	snop  }
0xbd: {  	[spmem:s4] =	stream.indirect.scatter.add.f32 [tilespmem:s20], [sflag:$0xD], $0x1, s7, s24, $0xb8;
	[tilespmem:$0x1E260] =	vst v63  }
0xbe: {  	_ =	swait.ge [sflag:s14], $0x1000  }
0xbf: {  	[sflag:s14] =	ssyncset.done $0x0  }
0xc0: {  	[sflag:s14] =	ssyncadd.s32 $0xFFFFF000  }
0xc1: {  	_ =	swait.ge [sflag:s15], $0x80  }
0xc2: {  	[sflag:s15] =	ssyncset.done $0x0  }
0xc3: {  	[sflag:s15] =	ssyncadd.s32 $0xFFFFFF80  }
0xc4: {  	_ =	swait.ge [sflag:s16], $0x1000  }
0xc5: {  	[sflag:s16] =	ssyncset.done $0x0  }
0xc6: {  	[sflag:s16] =	ssyncadd.s32 $0xFFFFF000  }
0xc7: {  	_ =	swait.ge [sflag:s15], $0x80  }
0xc8: {  	[sflag:s15] =	ssyncset.done $0x0  }
0xc9: {  	[sflag:s15] =	ssyncadd.s32 $0xFFFFFF80  }
0xca: {  	_ =	swait.ge [sflag:s17], $0x1000  }
0xcb: {  	[sflag:s17] =	ssyncset.done $0x0  }
0xcc: {  	[sflag:s17] =	ssyncadd.s32 $0xFFFFF000  }
0xcd: {  	_ =	swait.ge [sflag:s15], $0x80  }
0xce: {  	[sflag:s15] =	ssyncset.done $0x0  }
0xcf: {  	[sflag:s15] =	ssyncadd.s32 $0xFFFFFF80  }
0xd0: {  	_ =	swait.ge [sflag:s19], $0x1000  }
0xd1: {  	[sflag:s19] =	ssyncset.done $0x0  }
0xd2: {  	[sflag:s19] =	ssyncadd.s32 $0xFFFFF000  }
0xd3: {  	_ =	swait.ge [sflag:s15], $0x80  }
0xd4: {  	[sflag:s15] =	ssyncset.done $0x0  }
0xd5: {  	[sflag:s15] =	ssyncadd.s32 $0xFFFFFF80  }
0xd6: {  	_ =	swait.ge [sflag:s11], $0x1000  }
0xd7: {  	[sflag:s11] =	ssyncset.done $0x0  }
0xd8: {  	[sflag:s11] =	ssyncadd.s32 $0xFFFFF000  }
0xd9: {  	_ =	swait.ge [sflag:s15], $0x80  }
0xda: {  	[sflag:s15] =	ssyncset.done $0x0  }
0xdb: {  	[sflag:s15] =	ssyncadd.s32 $0xFFFFFF80  }
.Ltmp0:
0xdc: {  	_ =	swait.ge [sflag:s18], $0x1000;
	(pc) =	sbr.rel @p0 .LBB2_3-.Ltmp0, $4  }
0xdd: {  	[sflag:s18] =	ssyncset.done $0x0  }
0xde: {  	[sflag:s18] =	ssyncadd.s32 $0xFFFFF000  }
0xdf: {  	_ =	swait.ge [sflag:s15], $0x80  }
0xe0: {  	s21 =	smov.u32 s12;
	s7 =	sshra.s32 s22, $0x2;
	[sflag:s15] =	ssyncset.done $0x0  }
0xe1: {  	s12 =	sadd.s32 $0x145E0, s7;
	[sflag:s15] =	ssyncadd.s32 $0xFFFFFF80  }
0xe2: {  	[tilespmem:s25], [sflag:$0x1] =	stream.indirect.gather [hbm4b:s6+s24], $0x20, s12, s24, $0xb8;
	[tilespmem:$0x1E260] =	vst v63  }
0xe3: {  	s21 =	sadd.s32 $0x14660, s7  }
0xe4: {  	[tilespmem:s26], [sflag:$0x2] =	stream.indirect.gather [hbm4b:s6+s24], $0x20, s21, s24, $0xb8;
	[tilespmem:$0x1E260] =	vst v63  }
0xe5: {  	s22 =	sadd.s32 $0x146E0, s7  }
0xe6: {  	[tilespmem:s28], [sflag:$0x3] =	stream.indirect.gather [hbm4b:s6+s24], $0x20, s22, s24, $0xb8;
	[tilespmem:$0x1E260] =	vst v63  }
0xe7: {  	s13 =	sadd.s32 $0x14760, s7  }
0xe8: {  	[tilespmem:s29], [sflag:$0x4] =	stream.indirect.gather [hbm4b:s6+s24], $0x20, s13, s24, $0xb8;
	[tilespmem:$0x1E260] =	vst v63  }
0xe9: {  	s21 =	sadd.s32 $0x147E0, s7  }
0xea: {  	[tilespmem:s30], [sflag:$0x5] =	stream.indirect.gather [hbm4b:s6+s24], $0x20, s21, s24, $0xb8;
	[tilespmem:$0x1E260] =	vst v63  }
0xeb: {  	s22 =	sadd.s32 $0x14860, s7  }
0xec: {  	[tilespmem:s31], [sflag:$0x6] =	stream.indirect.gather [hbm4b:s6+s24], $0x20, s22, s24, $0xb8;
	[tilespmem:$0x1E260] =	vst v63  }
0xed: {  	_ =	swait.ge [sflag:s2], $0x1000  }
0xee: {  	[sflag:s2] =	ssyncset.done $0x0  }
0xef: {  	s13 =	sadd.s32 $0x163E0, s7;
	[sflag:s2] =	ssyncadd.s32 $0xFFFFF000  }
0xf0: {  	[spmem:s3] =	stream.indirect.scatter.add.bf16 [tilespmem:s25], [sflag:$0x7], $0x20, s13, s24, $0xb8;
	[tilespmem:$0x1E260] =	vst v63  }
0xf1: {  	_ = 	snop  }
0xf2: {  	[spmem:s4] =	stream.indirect.scatter.add.f32 [tilespmem:s20], [sflag:$0xD], $0x1, s13, s24, $0xb8;
	[tilespmem:$0x1E260] =	vst v63  }
0xf3: {  	_ =	swait.ge [sflag:s0], $0x1000  }
0xf4: {  	[sflag:s0] =	ssyncset.done $0x0  }
0xf5: {  	s21 =	sadd.s32 $0x16460, s7;
	[sflag:s0] =	ssyncadd.s32 $0xFFFFF000  }
0xf6: {  	[spmem:s3] =	stream.indirect.scatter.add.bf16 [tilespmem:s26], [sflag:$0x8], $0x20, s21, s24, $0xb8;
	[tilespmem:$0x1E260] =	vst v63  }
0xf7: {  	_ = 	snop  }
0xf8: {  	[spmem:s4] =	stream.indirect.scatter.add.f32 [tilespmem:s20], [sflag:$0xD], $0x1, s21, s24, $0xb8;
	[tilespmem:$0x1E260] =	vst v63  }
0xf9: {  	_ =	swait.ge [sflag:s5], $0x1000  }
0xfa: {  	[sflag:s5] =	ssyncset.done $0x0  }
0xfb: {  	s22 =	sadd.s32 $0x164E0, s7;
	[sflag:s5] =	ssyncadd.s32 $0xFFFFF000  }
0xfc: {  	[spmem:s3] =	stream.indirect.scatter.add.bf16 [tilespmem:s28], [sflag:$0x9], $0x20, s22, s24, $0xb8;
	[tilespmem:$0x1E260] =	vst v63  }
0xfd: {  	_ = 	snop  }
0xfe: {  	[spmem:s4] =	stream.indirect.scatter.add.f32 [tilespmem:s20], [sflag:$0xD], $0x1, s22, s24, $0xb8;
	[tilespmem:$0x1E260] =	vst v63  }
0xff: {  	_ =	swait.ge [sflag:s8], $0x1000  }
0x100: {  	[sflag:s8] =	ssyncset.done $0x0  }
0x101: {  	s13 =	sadd.s32 $0x16560, s7;
	[sflag:s8] =	ssyncadd.s32 $0xFFFFF000  }
0x102: {  	[spmem:s3] =	stream.indirect.scatter.add.bf16 [tilespmem:s29], [sflag:$0xA], $0x20, s13, s24, $0xb8;
	[tilespmem:$0x1E260] =	vst v63  }
0x103: {  	_ = 	snop  }
0x104: {  	[spmem:s4] =	stream.indirect.scatter.add.f32 [tilespmem:s20], [sflag:$0xD], $0x1, s13, s24, $0xb8;
	[tilespmem:$0x1E260] =	vst v63  }
0x105: {  	_ =	swait.ge [sflag:s9], $0x1000  }
0x106: {  	[sflag:s9] =	ssyncset.done $0x0  }
0x107: {  	s21 =	sadd.s32 $0x165E0, s7;
	[sflag:s9] =	ssyncadd.s32 $0xFFFFF000  }
0x108: {  	[spmem:s3] =	stream.indirect.scatter.add.bf16 [tilespmem:s30], [sflag:$0xB], $0x20, s21, s24, $0xb8;
	[tilespmem:$0x1E260] =	vst v63  }
0x109: {  	_ = 	snop  }
0x10a: {  	[spmem:s4] =	stream.indirect.scatter.add.f32 [tilespmem:s20], [sflag:$0xD], $0x1, s21, s24, $0xb8;
	[tilespmem:$0x1E260] =	vst v63  }
0x10b: {  	_ =	swait.ge [sflag:s10], $0x1000  }
0x10c: {  	[sflag:s10] =	ssyncset.done $0x0  }
0x10d: {  	s22 =	sadd.s32 $0x16660, s7;
	[sflag:s10] =	ssyncadd.s32 $0xFFFFF000  }
0x10e: {  	[spmem:s3] =	stream.indirect.scatter.add.bf16 [tilespmem:s31], [sflag:$0xC], $0x20, s22, s24, $0xb8;
	[tilespmem:$0x1E260] =	vst v63  }
0x10f: {  	_ = 	snop  }
0x110: {  	[spmem:s4] =	stream.indirect.scatter.add.f32 [tilespmem:s20], [sflag:$0xD], $0x1, s22, s24, $0xb8;
	[tilespmem:$0x1E260] =	vst v63  }
0x111: {  	_ =	swait.ge [sflag:s14], $0x1000  }
0x112: {  	[sflag:s14] =	ssyncset.done $0x0  }
0x113: {  	[sflag:s14] =	ssyncadd.s32 $0xFFFFF000  }
0x114: {  	_ =	swait.ge [sflag:s15], $0x80  }
0x115: {  	[sflag:s15] =	ssyncset.done $0x0  }
0x116: {  	[sflag:s15] =	ssyncadd.s32 $0xFFFFFF80  }
0x117: {  	_ =	swait.ge [sflag:s16], $0x1000  }
0x118: {  	[sflag:s16] =	ssyncset.done $0x0  }
0x119: {  	[sflag:s16] =	ssyncadd.s32 $0xFFFFF000  }
0x11a: {  	_ =	swait.ge [sflag:s15], $0x80  }
0x11b: {  	[sflag:s15] =	ssyncset.done $0x0  }
0x11c: {  	[sflag:s15] =	ssyncadd.s32 $0xFFFFFF80  }
0x11d: {  	_ =	swait.ge [sflag:s17], $0x1000  }
0x11e: {  	[sflag:s17] =	ssyncset.done $0x0  }
0x11f: {  	[sflag:s17] =	ssyncadd.s32 $0xFFFFF000  }
0x120: {  	_ =	swait.ge [sflag:s15], $0x80  }
0x121: {  	[sflag:s15] =	ssyncset.done $0x0  }
0x122: {  	[sflag:s15] =	ssyncadd.s32 $0xFFFFFF80  }
0x123: {  	_ =	swait.ge [sflag:s19], $0x1000  }
0x124: {  	[sflag:s19] =	ssyncset.done $0x0  }
0x125: {  	[sflag:s19] =	ssyncadd.s32 $0xFFFFF000  }
0x126: {  	_ =	swait.ge [sflag:s15], $0x80  }
0x127: {  	[sflag:s15] =	ssyncset.done $0x0  }
0x128: {  	[sflag:s15] =	ssyncadd.s32 $0xFFFFFF80  }
0x129: {  	_ =	swait.ge [sflag:s11], $0x1000  }
0x12a: {  	[sflag:s11] =	ssyncset.done $0x0  }
0x12b: {  	[sflag:s11] =	ssyncadd.s32 $0xFFFFF000  }
0x12c: {  	_ =	swait.ge [sflag:s15], $0x80  }
0x12d: {  	[sflag:s15] =	ssyncset.done $0x0  }
0x12e: {  	s1 =	sadd.s32 $0x1, s1;
	[sflag:s15] =	ssyncadd.s32 $0xFFFFFF80  }
0x12f: {  	p0 =	sne.s32 s1, $0x4;
	_ =	swait.ge [sflag:s18], $0x1000  }
.Ltmp1:
0x130: {  	[sflag:s18] =	ssyncset.done $0x0;
	(pc) =	sbr.rel @p0 .LBB2_2-.Ltmp1, $4  }
0x131: {  	[sflag:s18] =	ssyncadd.s32 $0xFFFFF000  }
0x132: {  	_ =	swait.ge [sflag:s15], $0x80  }
0x133: {  	[sflag:s15] =	ssyncset.done $0x0  }
0x134: {  	[sflag:s15] =	ssyncadd.s32 $0xFFFFFF80  }
0x135: {  	[bflag:$0x0] =	sbarrier.arrive $0xFFFF  }
0x136: {  	s12 =	rddreg [dreg:$0x9]  }
0x137: {  	s1 =	rddreg [dreg:$0xc]  }
0x138: {  	s21 =	simm.s32 $0xF;
	s13 =	rddreg [dreg:$0xf]  }
0x139: {  	[hbm:s1], [sflag:s12] =	dma.local [spmem:s13], $0x2780  }
0x13a: {  	_ =	swait.ge [sflag:s21], $0x2780  }
0x13b: {  	[sflag:s21] =	ssyncset.done $0x0;
	s22 =	rddreg [dreg:$0xd]  }
0x13c: {  	s7 =	rddreg [dreg:$0x10];
	[sflag:s21] =	ssyncadd.s32 $0xFFFFD880  }
0x13d: {  	[hbm:s22], [sflag:s12] =	dma.local [spmem:s7], $0x13C  }
0x13e: {  	_ =	swait.ge [sflag:s21], $0x13C  }
0x13f: {  	s22 =	rddreg [dreg:$0x11]  }
0x140: {  	s1 =	rddreg [dreg:$0xe];
	s22 =	sadd.s32 $0x1, s22  }
0x141: {  	p0 =	sne.s32 s22, s1  }
.Ltmp2:
0x142: {  	_ = 	snop;
	(pc) =	sbr.rel @p0 .LBB2_1-.Ltmp2, $3  }
0x143: {  	_ =	sdelay $0x1  }
0x144: {  	[sflag:s21] =	ssyncset.done $0x0  }
0x145: {  	[sflag:s21] =	ssyncadd.s32 $0xFFFFFEC4  }
0x146: {  	_ =	sfence.sel $0x180000  }
0x147: {  	[bflag:$0x0] =	sbarrier.arrive $0xFFFF  }
0x148: {  	_ =	strace $0x90000047  }
0x149: {  	s0 =	stileid.u32;
	[bflag:$0x2] =	sbarrier.arrive $0xFFFF  }
0x14a: {  	p0 =	sne.s32 s0, $0x0;
	s0 =	rddreg [dreg:$0x4]  }
0x14b: {  	s0 =	sadd.s32 @!p0 $0x100000, s0  }
0x14c: {  	[sflag:s0] =	ssyncadd.tile.s32 @!p0 $0x1;
	_ =	shalt  }
.Lfunc_end2:
_tile_overlayer_lowered:
.L_overlay_start_2:
0x14d: {  	(tag) =	ssettag $0x2  }
0x14e: {  	s0 =	rddreg [dreg:$0x0];
	s2 =	stileid.u32  }
0x14f: {  	s1 =	rddreg [dreg:$0x1];
	p0 =	sne.s32 s2, $0x0  }
0x150: {  	s3 =	rddreg [dreg:$0x2];
	[bflag:$0x3] =	sbarrier.arrive $0xFFFF;
	s2 =	simm.s32 @!p0 $0x1C0F  }
0x151: {  	[timem:s3], [sflag:s2] =	dma.local @!p0 [hbm:s0], s1  }
0x152: {  	s0 =	simm.s32 @!p0 $0xF  }
0x153: {  	_ =	swait.ge @!p0 [sflag:s0], s1  }
0x154: {  	s1 =	ssub.s32 @!p0 $0x0, s1;
	[sflag:s0] =	ssyncset.done @!p0 $0x0  }
0x155: {  	[sflag:s0] =	ssyncadd.s32 @!p0 s1  }
0x156: {  	[bflag:$0x3] =	sbarrier.arrive $0xFFFF  }
0x157: {  	_ =	shalt  }

</sc_bundles>
